<compile_context>
chip_gen: v7x
topology: tpu7x:2x2x1
jax: 0.10.2.dev20260603
libtpu: 0.0.44.dev20260713+nightly
codegen_flags: <defaults>
</compile_context>

<pallas_src>
import functools

import jax
import jax.numpy as jnp
from jax import lax
from jax.experimental import pallas as pl
from jax.experimental.pallas import tpu as pltpu
from jax.experimental.pallas import tpu_sc as plsc

_B = 4096
_D = 64
_V = 100000

_TN = 1024
_NV = pl.cdiv(_V, _TN)
_TLAST = _V - (_NV - 1) * _TN
_NBUF = 3


def _make_sc_gather():
    info = plsc.get_sparse_core_info()
    nw = info.num_cores * info.num_subcores
    b_per_w = _B // nw
    mesh = plsc.VectorSubcoreMesh(core_axis_name="c", subcore_axis_name="s")

    @functools.partial(
        pl.kernel,
        mesh=mesh,
        out_type=jax.ShapeDtypeStruct((_D, _B), jnp.float32),
        scratch_types=[
            pltpu.VMEM((b_per_w,), jnp.int32),
            pltpu.VMEM((_D, b_per_w), jnp.int32),
            pltpu.VMEM((_D, b_per_w), jnp.float32),
            pltpu.SemaphoreType.DMA,
        ],
        compiler_params=pltpu.CompilerParams(use_tc_tiling_on_sc=False),
    )
    def gather_kernel(table_hbm, idx_hbm, out_hbm, idx_v, idx2, rows_v, sem):
        wid = lax.axis_index("s") * info.num_cores + lax.axis_index("c")
        base = wid * b_per_w
        pltpu.sync_copy(idx_hbm.at[pl.ds(base, b_per_w)], idx_v)

        def build(k, c):
            for cc in range(b_per_w // 16):
                sl = pl.ds(cc * 16, 16)
                idx2[k, sl] = idx_v[sl] + k * _V
            return c

        lax.fori_loop(0, _D, build, 0)

        def fire(k, c):
            pltpu.async_copy(table_hbm.at[idx2.at[k]], rows_v.at[k], sem)
            return c

        lax.fori_loop(0, _D, fire, 0)

        def drain(k, c):
            pltpu.make_async_copy(
                table_hbm.at[idx2.at[k]], rows_v.at[k], sem
            ).wait()
            return c

        lax.fori_loop(0, _D, drain, 0)
        pltpu.sync_copy(rows_v, out_hbm.at[:, pl.ds(base, b_per_w)])

    return gather_kernel


_S = 4
_TS = _TN // _S


def _stripes(vv):
    total = _TLAST if vv == _NV - 1 else _TN
    return [
        (s * _TS, max(0, min(_TS, total - s * _TS))) for s in range(_S)
    ]


def _odma(vv, vv_off, slot, o_hbm, acc, sems, start):
    for s, (lo, rows) in enumerate(_stripes(vv)):
        if rows:
            cp = pltpu.make_async_copy(
                acc.at[slot, pl.ds(lo, rows)],
                o_hbm.at[pl.ds(vv_off + lo, rows)],
                sems.at[slot, s],
            )
            cp.start() if start else cp.wait()


def _mm_body(h_ref, w2t_ref, o_hbm, acc, sems):
    v = pl.program_id(0)
    slot = lax.rem(v, _NBUF)

    @pl.when(v >= _NBUF)
    def _wait_prev():
        _odma(0, (v - _NBUF) * _TN, slot, o_hbm, acc, sems, start=False)

    acc[slot] = lax.dot_general(
        w2t_ref[...],
        h_ref[...],
        (((0,), (0,)), ((), ())),
        preferred_element_type=jnp.float32,
    )

    @pl.when(v < _NV - 1)
    def _start_full():
        _odma(0, v * _TN, slot, o_hbm, acc, sems, start=True)

    @pl.when(v == _NV - 1)
    def _last():
        _odma(_NV - 1, v * _TN, slot, o_hbm, acc, sems, start=True)
        for k in range(_NBUF):
            vv = _NV - _NBUF + k
            _odma(vv, vv * _TN, lax.rem(vv, _NBUF), o_hbm, acc, sems, start=False)


def _projection_t(hidden, W2t):
    nv = _NV
    return pl.pallas_call(
        _mm_body,
        grid=(nv,),
        in_specs=[
            pl.BlockSpec((_D, _B), lambda v: (0, 0)),
            pl.BlockSpec((_D, _TN), lambda v: (0, v)),
        ],
        out_specs=pl.BlockSpec(memory_space=pl.ANY),
        out_shape=jax.ShapeDtypeStruct((_V, _B), jnp.float32),
        scratch_shapes=[
            pltpu.VMEM((_NBUF, _TN, _B), jnp.float32),
            pltpu.SemaphoreType.DMA((_NBUF, _S)),
        ],
        compiler_params=pltpu.CompilerParams(
            vmem_limit_bytes=110 * 1024 * 1024,
        ),
    )(hidden, W2t)


_sc_gather = _make_sc_gather()


@jax.jit
def kernel(X, W, W2):
    hidden_t = _sc_gather(W.T.reshape(-1), X.astype(jnp.int32))
    return _projection_t(hidden_t, W2.T).T

# --- scband reference (transcript-rebuilt; emitter-appended) ---
"""Pipeline reference for scband-skipgram-38491496907191 (READ-ONLY COPY).

The authoritative reference and input builder live on the scoring server;
editing this copy changes nothing except your own understanding.
"""

import jax, jax.numpy as jnp
import numpy as np

VOC_SIZE = 100000
EMB_DIM = 64
BATCH = 4096


def setup_inputs(seed: int = 0) -> dict:
    key = jax.random.key(seed)
    k1, k2, k3 = jax.random.split(key, 3)
    X = jax.random.randint(k1, (BATCH,), 0, VOC_SIZE, dtype=jnp.int64 if jax.config.jax_enable_x64 else jnp.int32)
    # Embedding table W: [voc_size, emb_dim]
    W = jax.random.normal(k2, (VOC_SIZE, EMB_DIM), dtype=jnp.float32)
    # Linear W2 (no bias), torch weight layout [out_features, in_features] = [voc_size, emb_dim]
    W2 = jax.random.normal(k3, (VOC_SIZE, EMB_DIM), dtype=jnp.float32) * (1.0 / np.sqrt(EMB_DIM))
    return {"X": X, "W": W, "W2": W2}


def reference(X, W, W2):
    # hidden_layer = Embedding(X) -> gather rows of W
    hidden_layer = jnp.take(W, X, axis=0)  # [B, emb_dim]
    # output_layer = Linear(hidden) with weight W2 [voc, emb]: h @ W2.T
    output_layer = hidden_layer @ W2.T  # [B, voc_size]
    return output_layer

if __name__ == "__main__":
    import jax
    _d = setup_inputs()
    print(jax.jit(kernel)(*tuple(_d.values())))

</pallas_src>

<mosaic_0001>
#map = affine_map<(d0, d1) -> (0)>
#map1 = affine_map<(d0, d1) -> (0, 0)>
module attributes {stable_mosaic.version = 14 : i64} {
  func.func @gather_kernel(%arg0: i32, %arg1: i32, %arg2: memref<6400000xf32, #tpu.memory_space<hbm>>, %arg3: memref<4096xi32, #tpu.memory_space<hbm>>, %arg4: memref<64x4096xf32, #tpu.memory_space<hbm>>, %arg5: memref<128xi32, #tpu.memory_space<vmem>>, %arg6: memref<64x128xi32, #tpu.memory_space<vmem>>, %arg7: memref<64x128xf32, #tpu.memory_space<vmem>>, %arg8: memref<!tpu.dma_semaphore, #tpu.memory_space<semaphore_mem>>) attributes {dimension_semantics = [#tpu.dimension_semantics<core_parallel>, #tpu.dimension_semantics<subcore_parallel>], iteration_bounds = array<i64: 2, 16>, scalar_prefetch = 0 : i64, scratch_operands = 4 : i64, tpu.core_type = #tpu.core_type<sc_vector_subcore>, window_params = [{transform_indices = #map}, {transform_indices = #map}, {transform_indices = #map1}]} {
    %mul3A = arith.constant 2 : i32
    %mul3A_0 = arith.muli %arg1, %mul3A : i32
    %add3A = arith.addi %mul3A_0, %arg0 : i32
    %mul3A_1 = arith.constant 128 : i32
    %mul3A_2 = arith.muli %add3A, %mul3A_1 : i32
    "tpu.region"() ({
      %run_scoped3A = tpu.sem_alloc : memref<!tpu.dma_semaphore, #tpu.memory_space<semaphore_mem>>
      %dma_start3A = tpu.memref_slice %arg3[%mul3A_2] : memref<4096xi32, #tpu.memory_space<hbm>> -> memref<128xi32, #tpu.memory_space<hbm>>
      %dma_start3A_20 = tpu.memref_slice %arg3[%mul3A_2] : memref<4096xi32, #tpu.memory_space<hbm>> -> memref<128xi32, #tpu.memory_space<hbm>>
      tpu.enqueue_dma source(%dma_start3A_20 : memref<128xi32, #tpu.memory_space<hbm>>) target(%arg5 : memref<128xi32, #tpu.memory_space<vmem>>) target_semaphore(%run_scoped3A : memref<!tpu.dma_semaphore, #tpu.memory_space<semaphore_mem>>)
      %dma_wait3A = tpu.memref_slice %arg3[%mul3A_2] : memref<4096xi32, #tpu.memory_space<hbm>> -> memref<128xi32, #tpu.memory_space<hbm>>
      %dma_wait3A_21 = tpu.memref_slice %arg3[%mul3A_2] : memref<4096xi32, #tpu.memory_space<hbm>> -> memref<128xi32, #tpu.memory_space<hbm>>
      tpu.wait_dma2 semaphore(%run_scoped3A : memref<!tpu.dma_semaphore, #tpu.memory_space<semaphore_mem>>) src(%dma_wait3A_21 : memref<128xi32, #tpu.memory_space<hbm>>) dst(%arg5 : memref<128xi32, #tpu.memory_space<vmem>>)
      tpu.yield
    }) : () -> ()
    %scan3A = arith.constant 0 : i32
    %scan3A_3 = arith.constant 0 : i32
    %scan3A_4 = arith.constant 64 : i32
    %scan3A_5 = arith.addi %scan3A_3, %scan3A_4 : i32
    %scan3A_6 = arith.constant 1 : i32
    scf.for %scan3A_20 = %scan3A_3 to %scan3A_5 step %scan3A_6  : i32 {
      %get3A = arith.constant 0 : index
      %get3A_21 = tpu.vector_load %arg5[%get3A] {strides = array<i32>} : memref<128xi32, #tpu.memory_space<vmem>>, vector<16xi32>,
      %get3A_22 = vector.shape_cast %get3A_21 : vector<16xi32> to vector<16xi32>
      %mul3A_23 = arith.constant 100000 : i32
      %mul3A_24 = arith.muli %scan3A_20, %mul3A_23 : i32
      %add3A_25 = vector.broadcast %mul3A_24 : i32 to vector<16xi32>
      %add3A_26 = arith.addi %get3A_22, %add3A_25 : vector<16xi32>
      %swap3A = arith.index_cast %scan3A_20 : i32 to index
      %swap3A_27 = arith.constant 0 : index
      %swap3A_28 = tpu.vector_load %arg6[%swap3A, %swap3A_27] {strides = array<i32>} : memref<64x128xi32, #tpu.memory_space<vmem>>, vector<1x16xi32>,
      %swap3A_29 = vector.shape_cast %swap3A_28 : vector<1x16xi32> to vector<16xi32>
      %swap3A_30 = vector.shape_cast %add3A_26 : vector<16xi32> to vector<1x16xi32>
      tpu.vector_store %arg6[%swap3A, %swap3A_27], %swap3A_30 {strides = array<i32>} : memref<64x128xi32, #tpu.memory_space<vmem>>, vector<1x16xi32>,
      %get3A_31 = arith.constant 16 : index
      %get3A_32 = tpu.vector_load %arg5[%get3A_31] {strides = array<i32>} : memref<128xi32, #tpu.memory_space<vmem>>, vector<16xi32>,
      %get3A_33 = vector.shape_cast %get3A_32 : vector<16xi32> to vector<16xi32>
      %mul3A_34 = arith.constant 100000 : i32
      %mul3A_35 = arith.muli %scan3A_20, %mul3A_34 : i32
      %add3A_36 = vector.broadcast %mul3A_35 : i32 to vector<16xi32>
      %add3A_37 = arith.addi %get3A_33, %add3A_36 : vector<16xi32>
      %swap3A_38 = arith.index_cast %scan3A_20 : i32 to index
      %swap3A_39 = arith.constant 16 : index
      %swap3A_40 = tpu.vector_load %arg6[%swap3A_38, %swap3A_39] {strides = array<i32>} : memref<64x128xi32, #tpu.memory_space<vmem>>, vector<1x16xi32>,
      %swap3A_41 = vector.shape_cast %swap3A_40 : vector<1x16xi32> to vector<16xi32>
      %swap3A_42 = vector.shape_cast %add3A_37 : vector<16xi32> to vector<1x16xi32>
      tpu.vector_store %arg6[%swap3A_38, %swap3A_39], %swap3A_42 {strides = array<i32>} : memref<64x128xi32, #tpu.memory_space<vmem>>, vector<1x16xi32>,
      %get3A_43 = arith.constant 32 : index
      %get3A_44 = tpu.vector_load %arg5[%get3A_43] {strides = array<i32>} : memref<128xi32, #tpu.memory_space<vmem>>, vector<16xi32>,
      %get3A_45 = vector.shape_cast %get3A_44 : vector<16xi32> to vector<16xi32>
      %mul3A_46 = arith.constant 100000 : i32
      %mul3A_47 = arith.muli %scan3A_20, %mul3A_46 : i32
      %add3A_48 = vector.broadcast %mul3A_47 : i32 to vector<16xi32>
      %add3A_49 = arith.addi %get3A_45, %add3A_48 : vector<16xi32>
      %swap3A_50 = arith.index_cast %scan3A_20 : i32 to index
      %swap3A_51 = arith.constant 32 : index
      %swap3A_52 = tpu.vector_load %arg6[%swap3A_50, %swap3A_51] {strides = array<i32>} : memref<64x128xi32, #tpu.memory_space<vmem>>, vector<1x16xi32>,
      %swap3A_53 = vector.shape_cast %swap3A_52 : vector<1x16xi32> to vector<16xi32>
      %swap3A_54 = vector.shape_cast %add3A_49 : vector<16xi32> to vector<1x16xi32>
      tpu.vector_store %arg6[%swap3A_50, %swap3A_51], %swap3A_54 {strides = array<i32>} : memref<64x128xi32, #tpu.memory_space<vmem>>, vector<1x16xi32>,
      %get3A_55 = arith.constant 48 : index
      %get3A_56 = tpu.vector_load %arg5[%get3A_55] {strides = array<i32>} : memref<128xi32, #tpu.memory_space<vmem>>, vector<16xi32>,
      %get3A_57 = vector.shape_cast %get3A_56 : vector<16xi32> to vector<16xi32>
      %mul3A_58 = arith.constant 100000 : i32
      %mul3A_59 = arith.muli %scan3A_20, %mul3A_58 : i32
      %add3A_60 = vector.broadcast %mul3A_59 : i32 to vector<16xi32>
      %add3A_61 = arith.addi %get3A_57, %add3A_60 : vector<16xi32>
      %swap3A_62 = arith.index_cast %scan3A_20 : i32 to index
      %swap3A_63 = arith.constant 48 : index
      %swap3A_64 = tpu.vector_load %arg6[%swap3A_62, %swap3A_63] {strides = array<i32>} : memref<64x128xi32, #tpu.memory_space<vmem>>, vector<1x16xi32>,
      %swap3A_65 = vector.shape_cast %swap3A_64 : vector<1x16xi32> to vector<16xi32>
      %swap3A_66 = vector.shape_cast %add3A_61 : vector<16xi32> to vector<1x16xi32>
      tpu.vector_store %arg6[%swap3A_62, %swap3A_63], %swap3A_66 {strides = array<i32>} : memref<64x128xi32, #tpu.memory_space<vmem>>, vector<1x16xi32>,
      %get3A_67 = arith.constant 64 : index
      %get3A_68 = tpu.vector_load %arg5[%get3A_67] {strides = array<i32>} : memref<128xi32, #tpu.memory_space<vmem>>, vector<16xi32>,
      %get3A_69 = vector.shape_cast %get3A_68 : vector<16xi32> to vector<16xi32>
      %mul3A_70 = arith.constant 100000 : i32
      %mul3A_71 = arith.muli %scan3A_20, %mul3A_70 : i32
      %add3A_72 = vector.broadcast %mul3A_71 : i32 to vector<16xi32>
      %add3A_73 = arith.addi %get3A_69, %add3A_72 : vector<16xi32>
      %swap3A_74 = arith.index_cast %scan3A_20 : i32 to index
      %swap3A_75 = arith.constant 64 : index
      %swap3A_76 = tpu.vector_load %arg6[%swap3A_74, %swap3A_75] {strides = array<i32>} : memref<64x128xi32, #tpu.memory_space<vmem>>, vector<1x16xi32>,
      %swap3A_77 = vector.shape_cast %swap3A_76 : vector<1x16xi32> to vector<16xi32>
      %swap3A_78 = vector.shape_cast %add3A_73 : vector<16xi32> to vector<1x16xi32>
      tpu.vector_store %arg6[%swap3A_74, %swap3A_75], %swap3A_78 {strides = array<i32>} : memref<64x128xi32, #tpu.memory_space<vmem>>, vector<1x16xi32>,
      %get3A_79 = arith.constant 80 : index
      %get3A_80 = tpu.vector_load %arg5[%get3A_79] {strides = array<i32>} : memref<128xi32, #tpu.memory_space<vmem>>, vector<16xi32>,
      %get3A_81 = vector.shape_cast %get3A_80 : vector<16xi32> to vector<16xi32>
      %mul3A_82 = arith.constant 100000 : i32
      %mul3A_83 = arith.muli %scan3A_20, %mul3A_82 : i32
      %add3A_84 = vector.broadcast %mul3A_83 : i32 to vector<16xi32>
      %add3A_85 = arith.addi %get3A_81, %add3A_84 : vector<16xi32>
      %swap3A_86 = arith.index_cast %scan3A_20 : i32 to index
      %swap3A_87 = arith.constant 80 : index
      %swap3A_88 = tpu.vector_load %arg6[%swap3A_86, %swap3A_87] {strides = array<i32>} : memref<64x128xi32, #tpu.memory_space<vmem>>, vector<1x16xi32>,
      %swap3A_89 = vector.shape_cast %swap3A_88 : vector<1x16xi32> to vector<16xi32>
      %swap3A_90 = vector.shape_cast %add3A_85 : vector<16xi32> to vector<1x16xi32>
      tpu.vector_store %arg6[%swap3A_86, %swap3A_87], %swap3A_90 {strides = array<i32>} : memref<64x128xi32, #tpu.memory_space<vmem>>, vector<1x16xi32>,
      %get3A_91 = arith.constant 96 : index
      %get3A_92 = tpu.vector_load %arg5[%get3A_91] {strides = array<i32>} : memref<128xi32, #tpu.memory_space<vmem>>, vector<16xi32>,
      %get3A_93 = vector.shape_cast %get3A_92 : vector<16xi32> to vector<16xi32>
      %mul3A_94 = arith.constant 100000 : i32
      %mul3A_95 = arith.muli %scan3A_20, %mul3A_94 : i32
      %add3A_96 = vector.broadcast %mul3A_95 : i32 to vector<16xi32>
      %add3A_97 = arith.addi %get3A_93, %add3A_96 : vector<16xi32>
      %swap3A_98 = arith.index_cast %scan3A_20 : i32 to index
      %swap3A_99 = arith.constant 96 : index
      %swap3A_100 = tpu.vector_load %arg6[%swap3A_98, %swap3A_99] {strides = array<i32>} : memref<64x128xi32, #tpu.memory_space<vmem>>, vector<1x16xi32>,
      %swap3A_101 = vector.shape_cast %swap3A_100 : vector<1x16xi32> to vector<16xi32>
      %swap3A_102 = vector.shape_cast %add3A_97 : vector<16xi32> to vector<1x16xi32>
      tpu.vector_store %arg6[%swap3A_98, %swap3A_99], %swap3A_102 {strides = array<i32>} : memref<64x128xi32, #tpu.memory_space<vmem>>, vector<1x16xi32>,
      %get3A_103 = arith.constant 112 : index
      %get3A_104 = tpu.vector_load %arg5[%get3A_103] {strides = array<i32>} : memref<128xi32, #tpu.memory_space<vmem>>, vector<16xi32>,
      %get3A_105 = vector.shape_cast %get3A_104 : vector<16xi32> to vector<16xi32>
      %mul3A_106 = arith.constant 100000 : i32
      %mul3A_107 = arith.muli %scan3A_20, %mul3A_106 : i32
      %add3A_108 = vector.broadcast %mul3A_107 : i32 to vector<16xi32>
      %add3A_109 = arith.addi %get3A_105, %add3A_108 : vector<16xi32>
      %swap3A_110 = arith.index_cast %scan3A_20 : i32 to index
      %swap3A_111 = arith.constant 112 : index
      %swap3A_112 = tpu.vector_load %arg6[%swap3A_110, %swap3A_111] {strides = array<i32>} : memref<64x128xi32, #tpu.memory_space<vmem>>, vector<1x16xi32>,
      %swap3A_113 = vector.shape_cast %swap3A_112 : vector<1x16xi32> to vector<16xi32>
      %swap3A_114 = vector.shape_cast %add3A_109 : vector<16xi32> to vector<1x16xi32>
      tpu.vector_store %arg6[%swap3A_110, %swap3A_111], %swap3A_114 {strides = array<i32>} : memref<64x128xi32, #tpu.memory_space<vmem>>, vector<1x16xi32>,
    }
    %scan3A_7 = arith.constant 64 : i32
    %scan3A_8 = arith.constant 0 : i32
    %scan3A_9 = arith.constant 0 : i32
    %scan3A_10 = arith.constant 64 : i32
    %scan3A_11 = arith.addi %scan3A_9, %scan3A_10 : i32
    %scan3A_12 = arith.constant 1 : i32
    scf.for %scan3A_20 = %scan3A_9 to %scan3A_11 step %scan3A_12  : i32 {
      %dma_start3A = arith.constant 0 : i32
      %dma_start3A_21 = tpu.memref_slice %arg7[%scan3A_20, %dma_start3A] : memref<64x128xf32, #tpu.memory_space<vmem>> -> memref<1x128xf32, #tpu.memory_space<vmem>>
      %dma_start3A_22 = tpu.memref_squeeze %dma_start3A_21 : memref<1x128xf32, #tpu.memory_space<vmem>> -> memref<128xf32, #tpu.memory_space<vmem>>
      %dma_start3A_23 = arith.constant 0 : i32
      %dma_start3A_24 = tpu.memref_slice %arg6[%scan3A_20, %dma_start3A_23] : memref<64x128xi32, #tpu.memory_space<vmem>> -> memref<1x128xi32, #tpu.memory_space<vmem>>
      %dma_start3A_25 = tpu.memref_squeeze %dma_start3A_24 : memref<1x128xi32, #tpu.memory_space<vmem>> -> memref<128xi32, #tpu.memory_space<vmem>>
      %dma_start3A_26 = arith.constant 0 : i32
      %dma_start3A_27 = tpu.memref_slice %arg2[%dma_start3A_26] : memref<6400000xf32, #tpu.memory_space<hbm>> -> memref<6400000xf32, #tpu.memory_space<hbm>>
      tpu.enqueue_indirect_dma source(%dma_start3A_27 : memref<6400000xf32, #tpu.memory_space<hbm>>) target(%dma_start3A_22 : memref<128xf32, #tpu.memory_space<vmem>>) offsets(%dma_start3A_25 : memref<128xi32, #tpu.memory_space<vmem>>) semaphore(%arg8 : memref<!tpu.dma_semaphore, #tpu.memory_space<semaphore_mem>>)
    }
    %scan3A_13 = arith.constant 64 : i32
    %scan3A_14 = arith.constant 0 : i32
    %scan3A_15 = arith.constant 0 : i32
    %scan3A_16 = arith.constant 64 : i32
    %scan3A_17 = arith.addi %scan3A_15, %scan3A_16 : i32
    %scan3A_18 = arith.constant 1 : i32
    scf.for %scan3A_20 = %scan3A_15 to %scan3A_17 step %scan3A_18  : i32 {
      %dma_wait3A = arith.constant 0 : i32
      %dma_wait3A_21 = tpu.memref_slice %arg7[%scan3A_20, %dma_wait3A] : memref<64x128xf32, #tpu.memory_space<vmem>> -> memref<1x128xf32, #tpu.memory_space<vmem>>
      %dma_wait3A_22 = tpu.memref_squeeze %dma_wait3A_21 : memref<1x128xf32, #tpu.memory_space<vmem>> -> memref<128xf32, #tpu.memory_space<vmem>>
      %dma_wait3A_23 = arith.constant 0 : i32
      %dma_wait3A_24 = tpu.memref_slice %arg6[%scan3A_20, %dma_wait3A_23] : memref<64x128xi32, #tpu.memory_space<vmem>> -> memref<1x128xi32, #tpu.memory_space<vmem>>
      %dma_wait3A_25 = tpu.memref_squeeze %dma_wait3A_24 : memref<1x128xi32, #tpu.memory_space<vmem>> -> memref<128xi32, #tpu.memory_space<vmem>>
      %dma_wait3A_26 = arith.constant 0 : i32
      %dma_wait3A_27 = tpu.memref_slice %arg2[%dma_wait3A_26] : memref<6400000xf32, #tpu.memory_space<hbm>> -> memref<6400000xf32, #tpu.memory_space<hbm>>
      tpu.wait_indirect_dma semaphore(%arg8 : memref<!tpu.dma_semaphore, #tpu.memory_space<semaphore_mem>>) src(%dma_wait3A_27 : memref<6400000xf32, #tpu.memory_space<hbm>>) dst(%dma_wait3A_22 : memref<128xf32, #tpu.memory_space<vmem>>)
    }
    %scan3A_19 = arith.constant 64 : i32
    "tpu.region"() ({
      %run_scoped3A = tpu.sem_alloc : memref<!tpu.dma_semaphore, #tpu.memory_space<semaphore_mem>>
      %dma_start3A = arith.constant 0 : i32
      %dma_start3A_20 = tpu.memref_slice %arg4[%dma_start3A, %mul3A_2] : memref<64x4096xf32, #tpu.memory_space<hbm>> -> memref<64x128xf32, #tpu.memory_space<hbm>>
      %dma_start3A_21 = arith.constant 0 : i32
      %dma_start3A_22 = tpu.memref_slice %arg4[%dma_start3A_21, %mul3A_2] : memref<64x4096xf32, #tpu.memory_space<hbm>> -> memref<64x128xf32, #tpu.memory_space<hbm>>
      tpu.enqueue_dma source(%arg7 : memref<64x128xf32, #tpu.memory_space<vmem>>) target(%dma_start3A_22 : memref<64x128xf32, #tpu.memory_space<hbm>>) target_semaphore(%run_scoped3A : memref<!tpu.dma_semaphore, #tpu.memory_space<semaphore_mem>>)
      %dma_wait3A = arith.constant 0 : i32
      %dma_wait3A_23 = tpu.memref_slice %arg4[%dma_wait3A, %mul3A_2] : memref<64x4096xf32, #tpu.memory_space<hbm>> -> memref<64x128xf32, #tpu.memory_space<hbm>>
      %dma_wait3A_24 = arith.constant 0 : i32
      %dma_wait3A_25 = tpu.memref_slice %arg4[%dma_wait3A_24, %mul3A_2] : memref<64x4096xf32, #tpu.memory_space<hbm>> -> memref<64x128xf32, #tpu.memory_space<hbm>>
      tpu.wait_dma2 semaphore(%run_scoped3A : memref<!tpu.dma_semaphore, #tpu.memory_space<semaphore_mem>>) src(%arg7 : memref<64x128xf32, #tpu.memory_space<vmem>>) dst(%dma_wait3A_25 : memref<64x128xf32, #tpu.memory_space<hbm>>)
      tpu.yield
    }) : () -> ()
    return
  }
}

module attributes {stable_mosaic.version = 14 : i64} {
  func.func @_mm_body(%arg0: i32, %arg1: memref<64x4096xf32, #tpu.memory_space<vmem>>, %arg2: memref<64x1024xf32, #tpu.memory_space<vmem>>, %arg3: memref<100000x4096xf32, #tpu.memory_space<any>>, %arg4: memref<3x1024x4096xf32, #tpu.memory_space<vmem>>, %arg5: memref<3x4x!tpu.dma_semaphore, #tpu.memory_space<semaphore_mem>>) attributes {dimension_semantics = [#tpu.dimension_semantics<arbitrary>], iteration_bounds = array<i64: 98>, scalar_prefetch = 0 : i64, scratch_operands = 2 : i64, tpu.core_type = #tpu.core_type<tc>, window_params = [{pipeline_mode = #tpu.pipeline_mode<synchronous>, transform_indices = @transform_0, window_bounds = array<i64: 64, 4096>}, {transform_indices = @transform_1, window_bounds = array<i64: 64, 1024>}, {}]} {
    %rem3A = arith.constant 3 : i32
    %rem3A_0 = arith.remsi %arg0, %rem3A : i32
    %ge3A = arith.constant 3 : i32
    %ge3A_1 = arith.cmpi sge, %arg0, %ge3A : i32
    %convert_element_type3A = arith.extui %ge3A_1 : i1 to i32
    %cond3A = arith.constant 0 : i32
    %cond3A_2 = arith.cmpi ne, %convert_element_type3A, %cond3A : i32
    scf.if %cond3A_2 {
      %sub3A = arith.constant 3 : i32
      %sub3A_22 = arith.subi %arg0, %sub3A : i32
      %mul3A = arith.constant 1024 : i32
      %mul3A_23 = arith.muli %sub3A_22, %mul3A : i32
      %add3A = arith.constant 0 : i32
      %add3A_24 = arith.addi %mul3A_23, %add3A : i32
      %dma_wait3A = arith.constant 0 : i32
      %dma_wait3A_25 = tpu.memref_slice %arg5[%rem3A_0, %dma_wait3A] : memref<3x4x!tpu.dma_semaphore, #tpu.memory_space<semaphore_mem>> -> memref<1x1x!tpu.dma_semaphore, #tpu.memory_space<semaphore_mem>>
      %dma_wait3A_26 = tpu.memref_squeeze %dma_wait3A_25 : memref<1x1x!tpu.dma_semaphore, #tpu.memory_space<semaphore_mem>> -> memref<!tpu.dma_semaphore, #tpu.memory_space<semaphore_mem>>
      %dma_wait3A_27 = arith.constant 0 : i32
      %dma_wait3A_28 = tpu.memref_slice %arg3[%add3A_24, %dma_wait3A_27] : memref<100000x4096xf32, #tpu.memory_space<any>> -> memref<256x4096xf32, #tpu.memory_space<any>>
      %dma_wait3A_29 = arith.constant 0 : i32
      %dma_wait3A_30 = arith.constant 0 : i32
      %dma_wait3A_31 = tpu.memref_slice %arg4[%rem3A_0, %dma_wait3A_29, %dma_wait3A_30] : memref<3x1024x4096xf32, #tpu.memory_space<vmem>> -> memref<1x256x4096xf32, #tpu.memory_space<vmem>>
      %dma_wait3A_32 = tpu.memref_squeeze %dma_wait3A_31 : memref<1x256x4096xf32, #tpu.memory_space<vmem>> -> memref<256x4096xf32, #tpu.memory_space<vmem>>
      tpu.wait_dma2 semaphore(%dma_wait3A_26 : memref<!tpu.dma_semaphore, #tpu.memory_space<semaphore_mem>>) src(%dma_wait3A_32 : memref<256x4096xf32, #tpu.memory_space<vmem>>) dst(%dma_wait3A_28 : memref<256x4096xf32, #tpu.memory_space<any>>)
      %add3A_33 = arith.constant 256 : i32
      %add3A_34 = arith.addi %mul3A_23, %add3A_33 : i32
      %dma_wait3A_35 = arith.constant 1 : i32
      %dma_wait3A_36 = tpu.memref_slice %arg5[%rem3A_0, %dma_wait3A_35] : memref<3x4x!tpu.dma_semaphore, #tpu.memory_space<semaphore_mem>> -> memref<1x1x!tpu.dma_semaphore, #tpu.memory_space<semaphore_mem>>
      %dma_wait3A_37 = tpu.memref_squeeze %dma_wait3A_36 : memref<1x1x!tpu.dma_semaphore, #tpu.memory_space<semaphore_mem>> -> memref<!tpu.dma_semaphore, #tpu.memory_space<semaphore_mem>>
      %dma_wait3A_38 = arith.constant 0 : i32
      %dma_wait3A_39 = tpu.memref_slice %arg3[%add3A_34, %dma_wait3A_38] : memref<100000x4096xf32, #tpu.memory_space<any>> -> memref<256x4096xf32, #tpu.memory_space<any>>
      %dma_wait3A_40 = arith.constant 256 : i32
      %dma_wait3A_41 = arith.constant 0 : i32
      %dma_wait3A_42 = tpu.memref_slice %arg4[%rem3A_0, %dma_wait3A_40, %dma_wait3A_41] : memref<3x1024x4096xf32, #tpu.memory_space<vmem>> -> memref<1x256x4096xf32, #tpu.memory_space<vmem>>
      %dma_wait3A_43 = tpu.memref_squeeze %dma_wait3A_42 : memref<1x256x4096xf32, #tpu.memory_space<vmem>> -> memref<256x4096xf32, #tpu.memory_space<vmem>>
      tpu.wait_dma2 semaphore(%dma_wait3A_37 : memref<!tpu.dma_semaphore, #tpu.memory_space<semaphore_mem>>) src(%dma_wait3A_43 : memref<256x4096xf32, #tpu.memory_space<vmem>>) dst(%dma_wait3A_39 : memref<256x4096xf32, #tpu.memory_space<any>>)
      %add3A_44 = arith.constant 512 : i32
      %add3A_45 = arith.addi %mul3A_23, %add3A_44 : i32
      %dma_wait3A_46 = arith.constant 2 : i32
      %dma_wait3A_47 = tpu.memref_slice %arg5[%rem3A_0, %dma_wait3A_46] : memref<3x4x!tpu.dma_semaphore, #tpu.memory_space<semaphore_mem>> -> memref<1x1x!tpu.dma_semaphore, #tpu.memory_space<semaphore_mem>>
      %dma_wait3A_48 = tpu.memref_squeeze %dma_wait3A_47 : memref<1x1x!tpu.dma_semaphore, #tpu.memory_space<semaphore_mem>> -> memref<!tpu.dma_semaphore, #tpu.memory_space<semaphore_mem>>
      %dma_wait3A_49 = arith.constant 0 : i32
      %dma_wait3A_50 = tpu.memref_slice %arg3[%add3A_45, %dma_wait3A_49] : memref<100000x4096xf32, #tpu.memory_space<any>> -> memref<256x4096xf32, #tpu.memory_space<any>>
      %dma_wait3A_51 = arith.constant 512 : i32
      %dma_wait3A_52 = arith.constant 0 : i32
      %dma_wait3A_53 = tpu.memref_slice %arg4[%rem3A_0, %dma_wait3A_51, %dma_wait3A_52] : memref<3x1024x4096xf32, #tpu.memory_space<vmem>> -> memref<1x256x4096xf32, #tpu.memory_space<vmem>>
      %dma_wait3A_54 = tpu.memref_squeeze %dma_wait3A_53 : memref<1x256x4096xf32, #tpu.memory_space<vmem>> -> memref<256x4096xf32, #tpu.memory_space<vmem>>
      tpu.wait_dma2 semaphore(%dma_wait3A_48 : memref<!tpu.dma_semaphore, #tpu.memory_space<semaphore_mem>>) src(%dma_wait3A_54 : memref<256x4096xf32, #tpu.memory_space<vmem>>) dst(%dma_wait3A_50 : memref<256x4096xf32, #tpu.memory_space<any>>)
      %add3A_55 = arith.constant 768 : i32
      %add3A_56 = arith.addi %mul3A_23, %add3A_55 : i32
      %dma_wait3A_57 = arith.constant 3 : i32
      %dma_wait3A_58 = tpu.memref_slice %arg5[%rem3A_0, %dma_wait3A_57] : memref<3x4x!tpu.dma_semaphore, #tpu.memory_space<semaphore_mem>> -> memref<1x1x!tpu.dma_semaphore, #tpu.memory_space<semaphore_mem>>
      %dma_wait3A_59 = tpu.memref_squeeze %dma_wait3A_58 : memref<1x1x!tpu.dma_semaphore, #tpu.memory_space<semaphore_mem>> -> memref<!tpu.dma_semaphore, #tpu.memory_space<semaphore_mem>>
      %dma_wait3A_60 = arith.constant 0 : i32
      %dma_wait3A_61 = tpu.memref_slice %arg3[%add3A_56, %dma_wait3A_60] : memref<100000x4096xf32, #tpu.memory_space<any>> -> memref<256x4096xf32, #tpu.memory_space<any>>
      %dma_wait3A_62 = arith.constant 768 : i32
      %dma_wait3A_63 = arith.constant 0 : i32
      %dma_wait3A_64 = tpu.memref_slice %arg4[%rem3A_0, %dma_wait3A_62, %dma_wait3A_63] : memref<3x1024x4096xf32, #tpu.memory_space<vmem>> -> memref<1x256x4096xf32, #tpu.memory_space<vmem>>
      %dma_wait3A_65 = tpu.memref_squeeze %dma_wait3A_64 : memref<1x256x4096xf32, #tpu.memory_space<vmem>> -> memref<256x4096xf32, #tpu.memory_space<vmem>>
      tpu.wait_dma2 semaphore(%dma_wait3A_59 : memref<!tpu.dma_semaphore, #tpu.memory_space<semaphore_mem>>) src(%dma_wait3A_65 : memref<256x4096xf32, #tpu.memory_space<vmem>>) dst(%dma_wait3A_61 : memref<256x4096xf32, #tpu.memory_space<any>>)
    } else {
    }
    %get3A = arith.constant 0 : index
    %get3A_3 = arith.constant 0 : index
    %get3A_4 = vector.load %arg2[%get3A, %get3A_3] : memref<64x1024xf32, #tpu.memory_space<vmem>>, vector<64x1024xf32>
    %get3A_5 = arith.constant 0 : index
    %get3A_6 = arith.constant 0 : index
    %get3A_7 = vector.load %arg1[%get3A_5, %get3A_6] : memref<64x4096xf32, #tpu.memory_space<vmem>>, vector<64x4096xf32>
    %dot_general3A = arith.constant dense<0.000000e+00> : vector<1024x4096xf32>
    %dot_general3A_8 = tpu.matmul %get3A_4, %get3A_7, %dot_general3A {dimension_numbers = #tpu.dot_dimension_numbers<[0], [0], [1], [1], [0, 1, 1, 1], [], []>, transpose_lhs_hint = false} : vector<64x1024xf32>, vector<64x4096xf32>, vector<1024x4096xf32> -> vector<1024x4096xf32>
    %swap3A = arith.index_cast %rem3A_0 : i32 to index
    %swap3A_9 = arith.constant 0 : index
    %swap3A_10 = arith.constant 0 : index
    %swap3A_11 = vector.load %arg4[%swap3A, %swap3A_9, %swap3A_10] : memref<3x1024x4096xf32, #tpu.memory_space<vmem>>, vector<1x1024x4096xf32>
    %swap3A_12 = vector.shape_cast %swap3A_11 : vector<1x1024x4096xf32> to vector<1024x4096xf32>
    %swap3A_13 = vector.shape_cast %dot_general3A_8 : vector<1024x4096xf32> to vector<1x1024x4096xf32>
    tpu.vector_store %arg4[%swap3A, %swap3A_9, %swap3A_10], %swap3A_13 {strides = array<i32>} : memref<3x1024x4096xf32, #tpu.memory_space<vmem>>, vector<1x1024x4096xf32>,
    %lt3A = arith.constant 97 : i32
    %lt3A_14 = arith.cmpi slt, %arg0, %lt3A : i32
    %convert_element_type3A_15 = arith.extui %lt3A_14 : i1 to i32
    %cond3A_16 = arith.constant 0 : i32
    %cond3A_17 = arith.cmpi ne, %convert_element_type3A_15, %cond3A_16 : i32
    scf.if %cond3A_17 {
      %mul3A = arith.constant 1024 : i32
      %mul3A_22 = arith.muli %arg0, %mul3A : i32
      %add3A = arith.constant 0 : i32
      %add3A_23 = arith.addi %mul3A_22, %add3A : i32
      %dma_start3A = arith.constant 0 : i32
      %dma_start3A_24 = tpu.memref_slice %arg5[%rem3A_0, %dma_start3A] : memref<3x4x!tpu.dma_semaphore, #tpu.memory_space<semaphore_mem>> -> memref<1x1x!tpu.dma_semaphore, #tpu.memory_space<semaphore_mem>>
      %dma_start3A_25 = tpu.memref_squeeze %dma_start3A_24 : memref<1x1x!tpu.dma_semaphore, #tpu.memory_space<semaphore_mem>> -> memref<!tpu.dma_semaphore, #tpu.memory_space<semaphore_mem>>
      %dma_start3A_26 = arith.constant 0 : i32
      %dma_start3A_27 = tpu.memref_slice %arg3[%add3A_23, %dma_start3A_26] : memref<100000x4096xf32, #tpu.memory_space<any>> -> memref<256x4096xf32, #tpu.memory_space<any>>
      %dma_start3A_28 = arith.constant 0 : i32
      %dma_start3A_29 = arith.constant 0 : i32
      %dma_start3A_30 = tpu.memref_slice %arg4[%rem3A_0, %dma_start3A_28, %dma_start3A_29] : memref<3x1024x4096xf32, #tpu.memory_space<vmem>> -> memref<1x256x4096xf32, #tpu.memory_space<vmem>>
      %dma_start3A_31 = tpu.memref_squeeze %dma_start3A_30 : memref<1x256x4096xf32, #tpu.memory_space<vmem>> -> memref<256x4096xf32, #tpu.memory_space<vmem>>
      tpu.enqueue_dma source(%dma_start3A_31 : memref<256x4096xf32, #tpu.memory_space<vmem>>) target(%dma_start3A_27 : memref<256x4096xf32, #tpu.memory_space<any>>) target_semaphore(%dma_start3A_25 : memref<!tpu.dma_semaphore, #tpu.memory_space<semaphore_mem>>)
      %add3A_32 = arith.constant 256 : i32
      %add3A_33 = arith.addi %mul3A_22, %add3A_32 : i32
      %dma_start3A_34 = arith.constant 1 : i32
      %dma_start3A_35 = tpu.memref_slice %arg5[%rem3A_0, %dma_start3A_34] : memref<3x4x!tpu.dma_semaphore, #tpu.memory_space<semaphore_mem>> -> memref<1x1x!tpu.dma_semaphore, #tpu.memory_space<semaphore_mem>>
      %dma_start3A_36 = tpu.memref_squeeze %dma_start3A_35 : memref<1x1x!tpu.dma_semaphore, #tpu.memory_space<semaphore_mem>> -> memref<!tpu.dma_semaphore, #tpu.memory_space<semaphore_mem>>
      %dma_start3A_37 = arith.constant 0 : i32
      %dma_start3A_38 = tpu.memref_slice %arg3[%add3A_33, %dma_start3A_37] : memref<100000x4096xf32, #tpu.memory_space<any>> -> memref<256x4096xf32, #tpu.memory_space<any>>
      %dma_start3A_39 = arith.constant 256 : i32
      %dma_start3A_40 = arith.constant 0 : i32
      %dma_start3A_41 = tpu.memref_slice %arg4[%rem3A_0, %dma_start3A_39, %dma_start3A_40] : memref<3x1024x4096xf32, #tpu.memory_space<vmem>> -> memref<1x256x4096xf32, #tpu.memory_space<vmem>>
      %dma_start3A_42 = tpu.memref_squeeze %dma_start3A_41 : memref<1x256x4096xf32, #tpu.memory_space<vmem>> -> memref<256x4096xf32, #tpu.memory_space<vmem>>
      tpu.enqueue_dma source(%dma_start3A_42 : memref<256x4096xf32, #tpu.memory_space<vmem>>) target(%dma_start3A_38 : memref<256x4096xf32, #tpu.memory_space<any>>) target_semaphore(%dma_start3A_36 : memref<!tpu.dma_semaphore, #tpu.memory_space<semaphore_mem>>)
      %add3A_43 = arith.constant 512 : i32
      %add3A_44 = arith.addi %mul3A_22, %add3A_43 : i32
      %dma_start3A_45 = arith.constant 2 : i32
      %dma_start3A_46 = tpu.memref_slice %arg5[%rem3A_0, %dma_start3A_45] : memref<3x4x!tpu.dma_semaphore, #tpu.memory_space<semaphore_mem>> -> memref<1x1x!tpu.dma_semaphore, #tpu.memory_space<semaphore_mem>>
      %dma_start3A_47 = tpu.memref_squeeze %dma_start3A_46 : memref<1x1x!tpu.dma_semaphore, #tpu.memory_space<semaphore_mem>> -> memref<!tpu.dma_semaphore, #tpu.memory_space<semaphore_mem>>
      %dma_start3A_48 = arith.constant 0 : i32
      %dma_start3A_49 = tpu.memref_slice %arg3[%add3A_44, %dma_start3A_48] : memref<100000x4096xf32, #tpu.memory_space<any>> -> memref<256x4096xf32, #tpu.memory_space<any>>
      %dma_start3A_50 = arith.constant 512 : i32
      %dma_start3A_51 = arith.constant 0 : i32
      %dma_start3A_52 = tpu.memref_slice %arg4[%rem3A_0, %dma_start3A_50, %dma_start3A_51] : memref<3x1024x4096xf32, #tpu.memory_space<vmem>> -> memref<1x256x4096xf32, #tpu.memory_space<vmem>>
      %dma_start3A_53 = tpu.memref_squeeze %dma_start3A_52 : memref<1x256x4096xf32, #tpu.memory_space<vmem>> -> memref<256x4096xf32, #tpu.memory_space<vmem>>
      tpu.enqueue_dma source(%dma_start3A_53 : memref<256x4096xf32, #tpu.memory_space<vmem>>) target(%dma_start3A_49 : memref<256x4096xf32, #tpu.memory_space<any>>) target_semaphore(%dma_start3A_47 : memref<!tpu.dma_semaphore, #tpu.memory_space<semaphore_mem>>)
      %add3A_54 = arith.constant 768 : i32
      %add3A_55 = arith.addi %mul3A_22, %add3A_54 : i32
      %dma_start3A_56 = arith.constant 3 : i32
      %dma_start3A_57 = tpu.memref_slice %arg5[%rem3A_0, %dma_start3A_56] : memref<3x4x!tpu.dma_semaphore, #tpu.memory_space<semaphore_mem>> -> memref<1x1x!tpu.dma_semaphore, #tpu.memory_space<semaphore_mem>>
      %dma_start3A_58 = tpu.memref_squeeze %dma_start3A_57 : memref<1x1x!tpu.dma_semaphore, #tpu.memory_space<semaphore_mem>> -> memref<!tpu.dma_semaphore, #tpu.memory_space<semaphore_mem>>
      %dma_start3A_59 = arith.constant 0 : i32
      %dma_start3A_60 = tpu.memref_slice %arg3[%add3A_55, %dma_start3A_59] : memref<100000x4096xf32, #tpu.memory_space<any>> -> memref<256x4096xf32, #tpu.memory_space<any>>
      %dma_start3A_61 = arith.constant 768 : i32
      %dma_start3A_62 = arith.constant 0 : i32
      %dma_start3A_63 = tpu.memref_slice %arg4[%rem3A_0, %dma_start3A_61, %dma_start3A_62] : memref<3x1024x4096xf32, #tpu.memory_space<vmem>> -> memref<1x256x4096xf32, #tpu.memory_space<vmem>>
      %dma_start3A_64 = tpu.memref_squeeze %dma_start3A_63 : memref<1x256x4096xf32, #tpu.memory_space<vmem>> -> memref<256x4096xf32, #tpu.memory_space<vmem>>
      tpu.enqueue_dma source(%dma_start3A_64 : memref<256x4096xf32, #tpu.memory_space<vmem>>) target(%dma_start3A_60 : memref<256x4096xf32, #tpu.memory_space<any>>) target_semaphore(%dma_start3A_58 : memref<!tpu.dma_semaphore, #tpu.memory_space<semaphore_mem>>)
    } else {
    }
    %eq3A = arith.constant 97 : i32
    %eq3A_18 = arith.cmpi eq, %arg0, %eq3A : i32
    %convert_element_type3A_19 = arith.extui %eq3A_18 : i1 to i32
    %cond3A_20 = arith.constant 0 : i32
    %cond3A_21 = arith.cmpi ne, %convert_element_type3A_19, %cond3A_20 : i32
    scf.if %cond3A_21 {
      %mul3A = arith.constant 1024 : i32
      %mul3A_22 = arith.muli %arg0, %mul3A : i32
      %add3A = arith.constant 0 : i32
      %add3A_23 = arith.addi %mul3A_22, %add3A : i32
      %dma_start3A = arith.constant 0 : i32
      %dma_start3A_24 = tpu.memref_slice %arg5[%rem3A_0, %dma_start3A] : memref<3x4x!tpu.dma_semaphore, #tpu.memory_space<semaphore_mem>> -> memref<1x1x!tpu.dma_semaphore, #tpu.memory_space<semaphore_mem>>
      %dma_start3A_25 = tpu.memref_squeeze %dma_start3A_24 : memref<1x1x!tpu.dma_semaphore, #tpu.memory_space<semaphore_mem>> -> memref<!tpu.dma_semaphore, #tpu.memory_space<semaphore_mem>>
      %dma_start3A_26 = arith.constant 0 : i32
      %dma_start3A_27 = tpu.memref_slice %arg3[%add3A_23, %dma_start3A_26] : memref<100000x4096xf32, #tpu.memory_space<any>> -> memref<256x4096xf32, #tpu.memory_space<any>>
      %dma_start3A_28 = arith.constant 0 : i32
      %dma_start3A_29 = arith.constant 0 : i32
      %dma_start3A_30 = tpu.memref_slice %arg4[%rem3A_0, %dma_start3A_28, %dma_start3A_29] : memref<3x1024x4096xf32, #tpu.memory_space<vmem>> -> memref<1x256x4096xf32, #tpu.memory_space<vmem>>
      %dma_start3A_31 = tpu.memref_squeeze %dma_start3A_30 : memref<1x256x4096xf32, #tpu.memory_space<vmem>> -> memref<256x4096xf32, #tpu.memory_space<vmem>>
      tpu.enqueue_dma source(%dma_start3A_31 : memref<256x4096xf32, #tpu.memory_space<vmem>>) target(%dma_start3A_27 : memref<256x4096xf32, #tpu.memory_space<any>>) target_semaphore(%dma_start3A_25 : memref<!tpu.dma_semaphore, #tpu.memory_space<semaphore_mem>>)
      %add3A_32 = arith.constant 256 : i32
      %add3A_33 = arith.addi %mul3A_22, %add3A_32 : i32
      %dma_start3A_34 = arith.constant 1 : i32
      %dma_start3A_35 = tpu.memref_slice %arg5[%rem3A_0, %dma_start3A_34] : memref<3x4x!tpu.dma_semaphore, #tpu.memory_space<semaphore_mem>> -> memref<1x1x!tpu.dma_semaphore, #tpu.memory_space<semaphore_mem>>
      %dma_start3A_36 = tpu.memref_squeeze %dma_start3A_35 : memref<1x1x!tpu.dma_semaphore, #tpu.memory_space<semaphore_mem>> -> memref<!tpu.dma_semaphore, #tpu.memory_space<semaphore_mem>>
      %dma_start3A_37 = arith.constant 0 : i32
      %dma_start3A_38 = tpu.memref_slice %arg3[%add3A_33, %dma_start3A_37] : memref<100000x4096xf32, #tpu.memory_space<any>> -> memref<256x4096xf32, #tpu.memory_space<any>>
      %dma_start3A_39 = arith.constant 256 : i32
      %dma_start3A_40 = arith.constant 0 : i32
      %dma_start3A_41 = tpu.memref_slice %arg4[%rem3A_0, %dma_start3A_39, %dma_start3A_40] : memref<3x1024x4096xf32, #tpu.memory_space<vmem>> -> memref<1x256x4096xf32, #tpu.memory_space<vmem>>
      %dma_start3A_42 = tpu.memref_squeeze %dma_start3A_41 : memref<1x256x4096xf32, #tpu.memory_space<vmem>> -> memref<256x4096xf32, #tpu.memory_space<vmem>>
      tpu.enqueue_dma source(%dma_start3A_42 : memref<256x4096xf32, #tpu.memory_space<vmem>>) target(%dma_start3A_38 : memref<256x4096xf32, #tpu.memory_space<any>>) target_semaphore(%dma_start3A_36 : memref<!tpu.dma_semaphore, #tpu.memory_space<semaphore_mem>>)
      %add3A_43 = arith.constant 512 : i32
      %add3A_44 = arith.addi %mul3A_22, %add3A_43 : i32
      %dma_start3A_45 = arith.constant 2 : i32
      %dma_start3A_46 = tpu.memref_slice %arg5[%rem3A_0, %dma_start3A_45] : memref<3x4x!tpu.dma_semaphore, #tpu.memory_space<semaphore_mem>> -> memref<1x1x!tpu.dma_semaphore, #tpu.memory_space<semaphore_mem>>
      %dma_start3A_47 = tpu.memref_squeeze %dma_start3A_46 : memref<1x1x!tpu.dma_semaphore, #tpu.memory_space<semaphore_mem>> -> memref<!tpu.dma_semaphore, #tpu.memory_space<semaphore_mem>>
      %dma_start3A_48 = arith.constant 0 : i32
      %dma_start3A_49 = tpu.memref_slice %arg3[%add3A_44, %dma_start3A_48] : memref<100000x4096xf32, #tpu.memory_space<any>> -> memref<160x4096xf32, #tpu.memory_space<any>>
      %dma_start3A_50 = arith.constant 512 : i32
      %dma_start3A_51 = arith.constant 0 : i32
      %dma_start3A_52 = tpu.memref_slice %arg4[%rem3A_0, %dma_start3A_50, %dma_start3A_51] : memref<3x1024x4096xf32, #tpu.memory_space<vmem>> -> memref<1x160x4096xf32, #tpu.memory_space<vmem>>
      %dma_start3A_53 = tpu.memref_squeeze %dma_start3A_52 : memref<1x160x4096xf32, #tpu.memory_space<vmem>> -> memref<160x4096xf32, #tpu.memory_space<vmem>>
      tpu.enqueue_dma source(%dma_start3A_53 : memref<160x4096xf32, #tpu.memory_space<vmem>>) target(%dma_start3A_49 : memref<160x4096xf32, #tpu.memory_space<any>>) target_semaphore(%dma_start3A_47 : memref<!tpu.dma_semaphore, #tpu.memory_space<semaphore_mem>>)
      %rem3A_54 = arith.constant 95 : i32
      %rem3A_55 = arith.constant 3 : i32
      %rem3A_56 = arith.remsi %rem3A_54, %rem3A_55 : i32
      %dma_wait3A = arith.constant 0 : i32
      %dma_wait3A_57 = tpu.memref_slice %arg5[%rem3A_56, %dma_wait3A] : memref<3x4x!tpu.dma_semaphore, #tpu.memory_space<semaphore_mem>> -> memref<1x1x!tpu.dma_semaphore, #tpu.memory_space<semaphore_mem>>
      %dma_wait3A_58 = tpu.memref_squeeze %dma_wait3A_57 : memref<1x1x!tpu.dma_semaphore, #tpu.memory_space<semaphore_mem>> -> memref<!tpu.dma_semaphore, #tpu.memory_space<semaphore_mem>>
      %dma_wait3A_59 = arith.constant 97280 : i32
      %dma_wait3A_60 = arith.constant 0 : i32
      %dma_wait3A_61 = tpu.memref_slice %arg3[%dma_wait3A_59, %dma_wait3A_60] : memref<100000x4096xf32, #tpu.memory_space<any>> -> memref<256x4096xf32, #tpu.memory_space<any>>
      %dma_wait3A_62 = arith.constant 0 : i32
      %dma_wait3A_63 = arith.constant 0 : i32
      %dma_wait3A_64 = tpu.memref_slice %arg4[%rem3A_56, %dma_wait3A_62, %dma_wait3A_63] : memref<3x1024x4096xf32, #tpu.memory_space<vmem>> -> memref<1x256x4096xf32, #tpu.memory_space<vmem>>
      %dma_wait3A_65 = tpu.memref_squeeze %dma_wait3A_64 : memref<1x256x4096xf32, #tpu.memory_space<vmem>> -> memref<256x4096xf32, #tpu.memory_space<vmem>>
      tpu.wait_dma2 semaphore(%dma_wait3A_58 : memref<!tpu.dma_semaphore, #tpu.memory_space<semaphore_mem>>) src(%dma_wait3A_65 : memref<256x4096xf32, #tpu.memory_space<vmem>>) dst(%dma_wait3A_61 : memref<256x4096xf32, #tpu.memory_space<any>>)
      %dma_wait3A_66 = arith.constant 1 : i32
      %dma_wait3A_67 = tpu.memref_slice %arg5[%rem3A_56, %dma_wait3A_66] : memref<3x4x!tpu.dma_semaphore, #tpu.memory_space<semaphore_mem>> -> memref<1x1x!tpu.dma_semaphore, #tpu.memory_space<semaphore_mem>>
      %dma_wait3A_68 = tpu.memref_squeeze %dma_wait3A_67 : memref<1x1x!tpu.dma_semaphore, #tpu.memory_space<semaphore_mem>> -> memref<!tpu.dma_semaphore, #tpu.memory_space<semaphore_mem>>
      %dma_wait3A_69 = arith.constant 97536 : i32
      %dma_wait3A_70 = arith.constant 0 : i32
      %dma_wait3A_71 = tpu.memref_slice %arg3[%dma_wait3A_69, %dma_wait3A_70] : memref<100000x4096xf32, #tpu.memory_space<any>> -> memref<256x4096xf32, #tpu.memory_space<any>>
      %dma_wait3A_72 = arith.constant 256 : i32
      %dma_wait3A_73 = arith.constant 0 : i32
      %dma_wait3A_74 = tpu.memref_slice %arg4[%rem3A_56, %dma_wait3A_72, %dma_wait3A_73] : memref<3x1024x4096xf32, #tpu.memory_space<vmem>> -> memref<1x256x4096xf32, #tpu.memory_space<vmem>>
      %dma_wait3A_75 = tpu.memref_squeeze %dma_wait3A_74 : memref<1x256x4096xf32, #tpu.memory_space<vmem>> -> memref<256x4096xf32, #tpu.memory_space<vmem>>
      tpu.wait_dma2 semaphore(%dma_wait3A_68 : memref<!tpu.dma_semaphore, #tpu.memory_space<semaphore_mem>>) src(%dma_wait3A_75 : memref<256x4096xf32, #tpu.memory_space<vmem>>) dst(%dma_wait3A_71 : memref<256x4096xf32, #tpu.memory_space<any>>)
      %dma_wait3A_76 = arith.constant 2 : i32
      %dma_wait3A_77 = tpu.memref_slice %arg5[%rem3A_56, %dma_wait3A_76] : memref<3x4x!tpu.dma_semaphore, #tpu.memory_space<semaphore_mem>> -> memref<1x1x!tpu.dma_semaphore, #tpu.memory_space<semaphore_mem>>
      %dma_wait3A_78 = tpu.memref_squeeze %dma_wait3A_77 : memref<1x1x!tpu.dma_semaphore, #tpu.memory_space<semaphore_mem>> -> memref<!tpu.dma_semaphore, #tpu.memory_space<semaphore_mem>>
      %dma_wait3A_79 = arith.constant 97792 : i32
      %dma_wait3A_80 = arith.constant 0 : i32
      %dma_wait3A_81 = tpu.memref_slice %arg3[%dma_wait3A_79, %dma_wait3A_80] : memref<100000x4096xf32, #tpu.memory_space<any>> -> memref<256x4096xf32, #tpu.memory_space<any>>
      %dma_wait3A_82 = arith.constant 512 : i32
      %dma_wait3A_83 = arith.constant 0 : i32
      %dma_wait3A_84 = tpu.memref_slice %arg4[%rem3A_56, %dma_wait3A_82, %dma_wait3A_83] : memref<3x1024x4096xf32, #tpu.memory_space<vmem>> -> memref<1x256x4096xf32, #tpu.memory_space<vmem>>
      %dma_wait3A_85 = tpu.memref_squeeze %dma_wait3A_84 : memref<1x256x4096xf32, #tpu.memory_space<vmem>> -> memref<256x4096xf32, #tpu.memory_space<vmem>>
      tpu.wait_dma2 semaphore(%dma_wait3A_78 : memref<!tpu.dma_semaphore, #tpu.memory_space<semaphore_mem>>) src(%dma_wait3A_85 : memref<256x4096xf32, #tpu.memory_space<vmem>>) dst(%dma_wait3A_81 : memref<256x4096xf32, #tpu.memory_space<any>>)
      %dma_wait3A_86 = arith.constant 3 : i32
      %dma_wait3A_87 = tpu.memref_slice %arg5[%rem3A_56, %dma_wait3A_86] : memref<3x4x!tpu.dma_semaphore, #tpu.memory_space<semaphore_mem>> -> memref<1x1x!tpu.dma_semaphore, #tpu.memory_space<semaphore_mem>>
      %dma_wait3A_88 = tpu.memref_squeeze %dma_wait3A_87 : memref<1x1x!tpu.dma_semaphore, #tpu.memory_space<semaphore_mem>> -> memref<!tpu.dma_semaphore, #tpu.memory_space<semaphore_mem>>
      %dma_wait3A_89 = arith.constant 98048 : i32
      %dma_wait3A_90 = arith.constant 0 : i32
      %dma_wait3A_91 = tpu.memref_slice %arg3[%dma_wait3A_89, %dma_wait3A_90] : memref<100000x4096xf32, #tpu.memory_space<any>> -> memref<256x4096xf32, #tpu.memory_space<any>>
      %dma_wait3A_92 = arith.constant 768 : i32
      %dma_wait3A_93 = arith.constant 0 : i32
      %dma_wait3A_94 = tpu.memref_slice %arg4[%rem3A_56, %dma_wait3A_92, %dma_wait3A_93] : memref<3x1024x4096xf32, #tpu.memory_space<vmem>> -> memref<1x256x4096xf32, #tpu.memory_space<vmem>>
      %dma_wait3A_95 = tpu.memref_squeeze %dma_wait3A_94 : memref<1x256x4096xf32, #tpu.memory_space<vmem>> -> memref<256x4096xf32, #tpu.memory_space<vmem>>
      tpu.wait_dma2 semaphore(%dma_wait3A_88 : memref<!tpu.dma_semaphore, #tpu.memory_space<semaphore_mem>>) src(%dma_wait3A_95 : memref<256x4096xf32, #tpu.memory_space<vmem>>) dst(%dma_wait3A_91 : memref<256x4096xf32, #tpu.memory_space<any>>)
      %rem3A_96 = arith.constant 96 : i32
      %rem3A_97 = arith.constant 3 : i32
      %rem3A_98 = arith.remsi %rem3A_96, %rem3A_97 : i32
      %dma_wait3A_99 = arith.constant 0 : i32
      %dma_wait3A_100 = tpu.memref_slice %arg5[%rem3A_98, %dma_wait3A_99] : memref<3x4x!tpu.dma_semaphore, #tpu.memory_space<semaphore_mem>> -> memref<1x1x!tpu.dma_semaphore, #tpu.memory_space<semaphore_mem>>
      %dma_wait3A_101 = tpu.memref_squeeze %dma_wait3A_100 : memref<1x1x!tpu.dma_semaphore, #tpu.memory_space<semaphore_mem>> -> memref<!tpu.dma_semaphore, #tpu.memory_space<semaphore_mem>>
      %dma_wait3A_102 = arith.constant 98304 : i32
      %dma_wait3A_103 = arith.constant 0 : i32
      %dma_wait3A_104 = tpu.memref_slice %arg3[%dma_wait3A_102, %dma_wait3A_103] : memref<100000x4096xf32, #tpu.memory_space<any>> -> memref<256x4096xf32, #tpu.memory_space<any>>
      %dma_wait3A_105 = arith.constant 0 : i32
      %dma_wait3A_106 = arith.constant 0 : i32
      %dma_wait3A_107 = tpu.memref_slice %arg4[%rem3A_98, %dma_wait3A_105, %dma_wait3A_106] : memref<3x1024x4096xf32, #tpu.memory_space<vmem>> -> memref<1x256x4096xf32, #tpu.memory_space<vmem>>
      %dma_wait3A_108 = tpu.memref_squeeze %dma_wait3A_107 : memref<1x256x4096xf32, #tpu.memory_space<vmem>> -> memref<256x4096xf32, #tpu.memory_space<vmem>>
      tpu.wait_dma2 semaphore(%dma_wait3A_101 : memref<!tpu.dma_semaphore, #tpu.memory_space<semaphore_mem>>) src(%dma_wait3A_108 : memref<256x4096xf32, #tpu.memory_space<vmem>>) dst(%dma_wait3A_104 : memref<256x4096xf32, #tpu.memory_space<any>>)
      %dma_wait3A_109 = arith.constant 1 : i32
      %dma_wait3A_110 = tpu.memref_slice %arg5[%rem3A_98, %dma_wait3A_109] : memref<3x4x!tpu.dma_semaphore, #tpu.memory_space<semaphore_mem>> -> memref<1x1x!tpu.dma_semaphore, #tpu.memory_space<semaphore_mem>>
      %dma_wait3A_111 = tpu.memref_squeeze %dma_wait3A_110 : memref<1x1x!tpu.dma_semaphore, #tpu.memory_space<semaphore_mem>> -> memref<!tpu.dma_semaphore, #tpu.memory_space<semaphore_mem>>
      %dma_wait3A_112 = arith.constant 98560 : i32
      %dma_wait3A_113 = arith.constant 0 : i32
      %dma_wait3A_114 = tpu.memref_slice %arg3[%dma_wait3A_112, %dma_wait3A_113] : memref<100000x4096xf32, #tpu.memory_space<any>> -> memref<256x4096xf32, #tpu.memory_space<any>>
      %dma_wait3A_115 = arith.constant 256 : i32
      %dma_wait3A_116 = arith.constant 0 : i32
      %dma_wait3A_117 = tpu.memref_slice %arg4[%rem3A_98, %dma_wait3A_115, %dma_wait3A_116] : memref<3x1024x4096xf32, #tpu.memory_space<vmem>> -> memref<1x256x4096xf32, #tpu.memory_space<vmem>>
      %dma_wait3A_118 = tpu.memref_squeeze %dma_wait3A_117 : memref<1x256x4096xf32, #tpu.memory_space<vmem>> -> memref<256x4096xf32, #tpu.memory_space<vmem>>
      tpu.wait_dma2 semaphore(%dma_wait3A_111 : memref<!tpu.dma_semaphore, #tpu.memory_space<semaphore_mem>>) src(%dma_wait3A_118 : memref<256x4096xf32, #tpu.memory_space<vmem>>) dst(%dma_wait3A_114 : memref<256x4096xf32, #tpu.memory_space<any>>)
      %dma_wait3A_119 = arith.constant 2 : i32
      %dma_wait3A_120 = tpu.memref_slice %arg5[%rem3A_98, %dma_wait3A_119] : memref<3x4x!tpu.dma_semaphore, #tpu.memory_space<semaphore_mem>> -> memref<1x1x!tpu.dma_semaphore, #tpu.memory_space<semaphore_mem>>
      %dma_wait3A_121 = tpu.memref_squeeze %dma_wait3A_120 : memref<1x1x!tpu.dma_semaphore, #tpu.memory_space<semaphore_mem>> -> memref<!tpu.dma_semaphore, #tpu.memory_space<semaphore_mem>>
      %dma_wait3A_122 = arith.constant 98816 : i32
      %dma_wait3A_123 = arith.constant 0 : i32
      %dma_wait3A_124 = tpu.memref_slice %arg3[%dma_wait3A_122, %dma_wait3A_123] : memref<100000x4096xf32, #tpu.memory_space<any>> -> memref<256x4096xf32, #tpu.memory_space<any>>
      %dma_wait3A_125 = arith.constant 512 : i32
      %dma_wait3A_126 = arith.constant 0 : i32
      %dma_wait3A_127 = tpu.memref_slice %arg4[%rem3A_98, %dma_wait3A_125, %dma_wait3A_126] : memref<3x1024x4096xf32, #tpu.memory_space<vmem>> -> memref<1x256x4096xf32, #tpu.memory_space<vmem>>
      %dma_wait3A_128 = tpu.memref_squeeze %dma_wait3A_127 : memref<1x256x4096xf32, #tpu.memory_space<vmem>> -> memref<256x4096xf32, #tpu.memory_space<vmem>>
      tpu.wait_dma2 semaphore(%dma_wait3A_121 : memref<!tpu.dma_semaphore, #tpu.memory_space<semaphore_mem>>) src(%dma_wait3A_128 : memref<256x4096xf32, #tpu.memory_space<vmem>>) dst(%dma_wait3A_124 : memref<256x4096xf32, #tpu.memory_space<any>>)
      %dma_wait3A_129 = arith.constant 3 : i32
      %dma_wait3A_130 = tpu.memref_slice %arg5[%rem3A_98, %dma_wait3A_129] : memref<3x4x!tpu.dma_semaphore, #tpu.memory_space<semaphore_mem>> -> memref<1x1x!tpu.dma_semaphore, #tpu.memory_space<semaphore_mem>>
      %dma_wait3A_131 = tpu.memref_squeeze %dma_wait3A_130 : memref<1x1x!tpu.dma_semaphore, #tpu.memory_space<semaphore_mem>> -> memref<!tpu.dma_semaphore, #tpu.memory_space<semaphore_mem>>
      %dma_wait3A_132 = arith.constant 99072 : i32
      %dma_wait3A_133 = arith.constant 0 : i32
      %dma_wait3A_134 = tpu.memref_slice %arg3[%dma_wait3A_132, %dma_wait3A_133] : memref<100000x4096xf32, #tpu.memory_space<any>> -> memref<256x4096xf32, #tpu.memory_space<any>>
      %dma_wait3A_135 = arith.constant 768 : i32
      %dma_wait3A_136 = arith.constant 0 : i32
      %dma_wait3A_137 = tpu.memref_slice %arg4[%rem3A_98, %dma_wait3A_135, %dma_wait3A_136] : memref<3x1024x4096xf32, #tpu.memory_space<vmem>> -> memref<1x256x4096xf32, #tpu.memory_space<vmem>>
      %dma_wait3A_138 = tpu.memref_squeeze %dma_wait3A_137 : memref<1x256x4096xf32, #tpu.memory_space<vmem>> -> memref<256x4096xf32, #tpu.memory_space<vmem>>
      tpu.wait_dma2 semaphore(%dma_wait3A_131 : memref<!tpu.dma_semaphore, #tpu.memory_space<semaphore_mem>>) src(%dma_wait3A_138 : memref<256x4096xf32, #tpu.memory_space<vmem>>) dst(%dma_wait3A_134 : memref<256x4096xf32, #tpu.memory_space<any>>)
      %rem3A_139 = arith.constant 97 : i32
      %rem3A_140 = arith.constant 3 : i32
      %rem3A_141 = arith.remsi %rem3A_139, %rem3A_140 : i32
      %dma_wait3A_142 = arith.constant 0 : i32
      %dma_wait3A_143 = tpu.memref_slice %arg5[%rem3A_141, %dma_wait3A_142] : memref<3x4x!tpu.dma_semaphore, #tpu.memory_space<semaphore_mem>> -> memref<1x1x!tpu.dma_semaphore, #tpu.memory_space<semaphore_mem>>
      %dma_wait3A_144 = tpu.memref_squeeze %dma_wait3A_143 : memref<1x1x!tpu.dma_semaphore, #tpu.memory_space<semaphore_mem>> -> memref<!tpu.dma_semaphore, #tpu.memory_space<semaphore_mem>>
      %dma_wait3A_145 = arith.constant 99328 : i32
      %dma_wait3A_146 = arith.constant 0 : i32
      %dma_wait3A_147 = tpu.memref_slice %arg3[%dma_wait3A_145, %dma_wait3A_146] : memref<100000x4096xf32, #tpu.memory_space<any>> -> memref<256x4096xf32, #tpu.memory_space<any>>
      %dma_wait3A_148 = arith.constant 0 : i32
      %dma_wait3A_149 = arith.constant 0 : i32
      %dma_wait3A_150 = tpu.memref_slice %arg4[%rem3A_141, %dma_wait3A_148, %dma_wait3A_149] : memref<3x1024x4096xf32, #tpu.memory_space<vmem>> -> memref<1x256x4096xf32, #tpu.memory_space<vmem>>
      %dma_wait3A_151 = tpu.memref_squeeze %dma_wait3A_150 : memref<1x256x4096xf32, #tpu.memory_space<vmem>> -> memref<256x4096xf32, #tpu.memory_space<vmem>>
      tpu.wait_dma2 semaphore(%dma_wait3A_144 : memref<!tpu.dma_semaphore, #tpu.memory_space<semaphore_mem>>) src(%dma_wait3A_151 : memref<256x4096xf32, #tpu.memory_space<vmem>>) dst(%dma_wait3A_147 : memref<256x4096xf32, #tpu.memory_space<any>>)
      %dma_wait3A_152 = arith.constant 1 : i32
      %dma_wait3A_153 = tpu.memref_slice %arg5[%rem3A_141, %dma_wait3A_152] : memref<3x4x!tpu.dma_semaphore, #tpu.memory_space<semaphore_mem>> -> memref<1x1x!tpu.dma_semaphore, #tpu.memory_space<semaphore_mem>>
      %dma_wait3A_154 = tpu.memref_squeeze %dma_wait3A_153 : memref<1x1x!tpu.dma_semaphore, #tpu.memory_space<semaphore_mem>> -> memref<!tpu.dma_semaphore, #tpu.memory_space<semaphore_mem>>
      %dma_wait3A_155 = arith.constant 99584 : i32
      %dma_wait3A_156 = arith.constant 0 : i32
      %dma_wait3A_157 = tpu.memref_slice %arg3[%dma_wait3A_155, %dma_wait3A_156] : memref<100000x4096xf32, #tpu.memory_space<any>> -> memref<256x4096xf32, #tpu.memory_space<any>>
      %dma_wait3A_158 = arith.constant 256 : i32
      %dma_wait3A_159 = arith.constant 0 : i32
      %dma_wait3A_160 = tpu.memref_slice %arg4[%rem3A_141, %dma_wait3A_158, %dma_wait3A_159] : memref<3x1024x4096xf32, #tpu.memory_space<vmem>> -> memref<1x256x4096xf32, #tpu.memory_space<vmem>>
      %dma_wait3A_161 = tpu.memref_squeeze %dma_wait3A_160 : memref<1x256x4096xf32, #tpu.memory_space<vmem>> -> memref<256x4096xf32, #tpu.memory_space<vmem>>
      tpu.wait_dma2 semaphore(%dma_wait3A_154 : memref<!tpu.dma_semaphore, #tpu.memory_space<semaphore_mem>>) src(%dma_wait3A_161 : memref<256x4096xf32, #tpu.memory_space<vmem>>) dst(%dma_wait3A_157 : memref<256x4096xf32, #tpu.memory_space<any>>)
      %dma_wait3A_162 = arith.constant 2 : i32
      %dma_wait3A_163 = tpu.memref_slice %arg5[%rem3A_141, %dma_wait3A_162] : memref<3x4x!tpu.dma_semaphore, #tpu.memory_space<semaphore_mem>> -> memref<1x1x!tpu.dma_semaphore, #tpu.memory_space<semaphore_mem>>
      %dma_wait3A_164 = tpu.memref_squeeze %dma_wait3A_163 : memref<1x1x!tpu.dma_semaphore, #tpu.memory_space<semaphore_mem>> -> memref<!tpu.dma_semaphore, #tpu.memory_space<semaphore_mem>>
      %dma_wait3A_165 = arith.constant 99840 : i32
      %dma_wait3A_166 = arith.constant 0 : i32
      %dma_wait3A_167 = tpu.memref_slice %arg3[%dma_wait3A_165, %dma_wait3A_166] : memref<100000x4096xf32, #tpu.memory_space<any>> -> memref<160x4096xf32, #tpu.memory_space<any>>
      %dma_wait3A_168 = arith.constant 512 : i32
      %dma_wait3A_169 = arith.constant 0 : i32
      %dma_wait3A_170 = tpu.memref_slice %arg4[%rem3A_141, %dma_wait3A_168, %dma_wait3A_169] : memref<3x1024x4096xf32, #tpu.memory_space<vmem>> -> memref<1x160x4096xf32, #tpu.memory_space<vmem>>
      %dma_wait3A_171 = tpu.memref_squeeze %dma_wait3A_170 : memref<1x160x4096xf32, #tpu.memory_space<vmem>> -> memref<160x4096xf32, #tpu.memory_space<vmem>>
      tpu.wait_dma2 semaphore(%dma_wait3A_164 : memref<!tpu.dma_semaphore, #tpu.memory_space<semaphore_mem>>) src(%dma_wait3A_171 : memref<160x4096xf32, #tpu.memory_space<vmem>>) dst(%dma_wait3A_167 : memref<160x4096xf32, #tpu.memory_space<any>>)
    } else {
    }
    return
  }
  func.func @transform_0(%arg0: i32) -> (i32, i32) {
    %c0_i32 = arith.constant 0 : i32
    %c0_i32_0 = arith.constant 0 : i32
    %c0_i32_1 = arith.constant 0 : i32
    return %c0_i32, %c0_i32_0 : i32, i32
  }
  func.func @transform_1(%arg0: i32) -> (i32, i32) {
    %c0_i32 = arith.constant 0 : i32
    %c0_i32_0 = arith.constant 0 : i32
    return %c0_i32, %arg0 : i32, i32
  }
}

</mosaic_0001>

<sc_bundles>
// kernel: kernel.4.cloned.1.call-start
scs
__scs_entry_jumppad:
0x0: {  	(pc) =	sbr.rel $0x88, $3  }
0x1: {  	(tag) =	ssettag $0x0;
	lr =	simm.s32 $0x1  }
0x2: {  	[smem:$0x3F9E] =	sst lr;
	_ =	strace $0xD0000000  }
0x3: {  	_ = 	snop  }
0x4: {  	_ = 	snop  }
0x5: {  	_ = 	snop  }
0x6: {  	_ = 	snop  }
0x7: {  	_ = 	snop  }
__scs_overlays_trampoline_lowered:
0x8: {  	[smem:$0x3FAD] =	sst s0  }
0x9: {  	[smem:$0x3FAE] =	sst s1  }
0xa: {  	[smem:$0x3FAF] =	sst s2  }
0xb: {  	[smem:$0x3FB0] =	sst s3  }
0xc: {  	[smem:$0x3FB1] =	sst s4  }
0xd: {  	[smem:$0x3FB2] =	sst s5  }
0xe: {  	[smem:$0x3FB3] =	sst s6  }
0xf: {  	[smem:$0x3FB4] =	sst s7  }
0x10: {  	[smem:$0x3FB5] =	sst s8  }
0x11: {  	[smem:$0x3FB6] =	sst s9;
	s0 =	simm.s32 @!p0 $0x0  }
0x12: {  	s1 =	sld [smem:$0x3F9C];
	s0 =	simm.s32 @p0 $0x1  }
0x13: {  	[smem:$0x3FB7] =	sst s0;
	s0 =	simm.s32 @!p1 $0x0  }
0x14: {  	s2 =	sld [smem:$0x3F9B];
	s0 =	simm.s32 @p1 $0x1  }
0x15: {  	[smem:$0x3FB8] =	sst s0;
	s0 =	simm.s32 @!p2 $0x0  }
0x16: {  	s3 =	sld [smem:$0x3FDB];
	s0 =	simm.s32 @p2 $0x1  }
0x17: {  	s4 =	simm.s32 $0x1BF5;
	[smem:$0x3FBA] =	sst s0  }
0x18: {  	s0 =	sld [smem:$0x3F9D];
	_ =	swait.ge [sflag:s4], $0x0  }
0x19: {  	s7 =	sld [smem:$0x3F9E]  }
0x1a: {  	s8 =	sadd.s32 $0xFFFFE003, lr  }
0x1b: {  	s9 =	sadd.s32 $0xFFFFFEF7, lr;
	s5 =	simm.s32 $0xFFFFFFFF;
	p2 =	slt.u32 s8, $0xFFFFF086  }
0x1c: {  	p1 =	slt.u32 s9, $0xF7A;
	s5 =	simm.s32 @!p2 $0x0  }
0x1d: {  	s5 =	simm.s32 @p1 $0x1;
	p0 =	seq.s32 s7, s2  }
0x1e: {  	s7 =	smul.u32 @!p0 $0xF7A, s2;
	p2 =	seq.s32 @!p0 s5, $0x0  }
0x1f: {  	s9 =	smul.u32 $0xF7A, s1;
	s8 =	simm.s32 @!p0 $0x1BF5;
	p2 =	por !p2, p0  }
0x20: {  	[sflag:s8] =	ssyncset.s32 @!p0 $0xFFFFF086;
	s6 =	sadd.s32 @!p0 s3, s7;
	s7 =	simm.s32 @!p0 $0x108  }
0x21: {  	s3 =	sadd.s32 s3, s9;
	s6 =	sadd.s32 @!p0 $0x88, s6;
	s7 =	simm.s32 @p2 $0x1082  }
0x22: {  	[simem:s7], [sflag:s8] =	dma.local @!p0 [hbm:s6], $0xF7A  }
0x23: {  	s9 =	sor.u32 $0xD0000000, s2;
	s6 =	simm.s32 $0x108;
	_ =	swait.ge @!p0 [sflag:s8], $0x0  }
0x24: {  	s3 =	sadd.s32 $0x88, s3;
	s6 =	simm.s32 @!p1 $0x1082;
	[sflag:s4] =	ssyncset.s32 $0xFFFFF086  }
0x25: {  	[simem:s6], [sflag:s4] =	dma.local [hbm:s3], $0xF7A  }
0x26: {  	[smem:$0x3F9E] =	sst s1;
	(tag) =	ssettag s2;
	_ =	strace s9  }
0x27: {  	s1 =	sld [smem:$0x3FAE]  }
0x28: {  	s2 =	sld [smem:$0x3FAF]  }
0x29: {  	s4 =	sld [smem:$0x3FB1]  }
0x2a: {  	p0 =	seq.s32 s5, $0x0;
	s5 =	sld [smem:$0x3FB2]  }
0x2b: {  	s6 =	sld [smem:$0x3FB3]  }
0x2c: {  	s7 =	sld [smem:$0x3FB4]  }
0x2d: {  	s3 =	simm.s32 $0x108;
	s8 =	sld [smem:$0x3FB5]  }
0x2e: {  	s3 =	simm.s32 @!p0 $0x1082;
	s9 =	sld [smem:$0x3FB6]  }
0x2f: {  	lr =	sadd.s32 s0, s3;
	s0 =	sld [smem:$0x3FAD]  }
0x30: {  	s3 =	sld [smem:$0x3FB0]  }
0x31: {  	[smem:$0x3FB9] =	sst s10  }
0x32: {  	s10 =	sld [smem:$0x3FB7];
	_ =	sdelay $0x3  }
0x33: {  	p0 =	seq.s32 s10, $0x1;
	s10 =	sld [smem:$0x3FB9];
	_ =	sdelay $0x3  }
0x34: {  	[smem:$0x3FB9] =	sst s10  }
0x35: {  	s10 =	sld [smem:$0x3FB8];
	_ =	sdelay $0x3  }
0x36: {  	p1 =	seq.s32 s10, $0x1;
	s10 =	sld [smem:$0x3FB9];
	_ =	sdelay $0x3  }
0x37: {  	[smem:$0x3FB9] =	sst s10  }
0x38: {  	s10 =	sld [smem:$0x3FBA]  }
0x39: {  	_ = 	snop;
	(pc) =	sbr.ind lr, $3  }
0x3a: {  	_ = 	snop  }
0x3b: {  	_ = 	snop  }
0x3c: {  	p2 =	seq.s32 s10, $0x1;
	s10 =	sld [smem:$0x3FB9]  }
0x3d: {  	_ =	shalt  }
0x3e: {  	_ =	shalt  }
0x3f: {  	_ =	shalt  }
0x40: {  	_ =	shalt  }
0x41: {  	_ =	shalt  }
0x42: {  	_ =	shalt  }
0x43: {  	_ =	shalt  }
0x44: {  	_ =	shalt  }
0x45: {  	_ =	shalt  }
0x46: {  	_ =	shalt  }
0x47: {  	_ =	shalt  }
0x48: {  	_ =	shalt  }
0x49: {  	_ =	shalt  }
0x4a: {  	_ =	shalt  }
0x4b: {  	_ =	shalt  }
0x4c: {  	_ =	shalt  }
0x4d: {  	_ =	shalt  }
0x4e: {  	_ =	shalt  }
0x4f: {  	_ =	shalt  }
0x50: {  	_ =	shalt  }
0x51: {  	_ =	shalt  }
0x52: {  	_ =	shalt  }
0x53: {  	_ =	shalt  }
0x54: {  	_ =	shalt  }
0x55: {  	_ =	shalt  }
0x56: {  	_ =	shalt  }
0x57: {  	_ =	shalt  }
0x58: {  	_ =	shalt  }
0x59: {  	_ =	shalt  }
0x5a: {  	_ =	shalt  }
0x5b: {  	_ =	shalt  }
0x5c: {  	_ =	shalt  }
0x5d: {  	_ =	shalt  }
0x5e: {  	_ =	shalt  }
0x5f: {  	_ =	shalt  }
0x60: {  	_ =	shalt  }
0x61: {  	_ =	shalt  }
0x62: {  	_ =	shalt  }
0x63: {  	_ =	shalt  }
0x64: {  	_ =	shalt  }
0x65: {  	_ =	shalt  }
0x66: {  	_ =	shalt  }
0x67: {  	_ =	shalt  }
0x68: {  	_ =	shalt  }
0x69: {  	_ =	shalt  }
0x6a: {  	_ =	shalt  }
0x6b: {  	_ =	shalt  }
0x6c: {  	_ =	shalt  }
0x6d: {  	_ =	shalt  }
0x6e: {  	_ =	shalt  }
0x6f: {  	_ =	shalt  }
0x70: {  	_ =	shalt  }
0x71: {  	_ =	shalt  }
0x72: {  	_ =	shalt  }
0x73: {  	_ =	shalt  }
0x74: {  	_ =	shalt  }
0x75: {  	_ =	shalt  }
0x76: {  	_ =	shalt  }
0x77: {  	_ =	shalt  }
0x78: {  	_ =	shalt  }
0x79: {  	_ =	shalt  }
0x7a: {  	_ =	shalt  }
0x7b: {  	_ =	shalt  }
0x7c: {  	_ =	shalt  }
0x7d: {  	_ =	shalt  }
0x7e: {  	_ =	shalt  }
0x7f: {  	_ =	shalt  }
0x80: {  	_ =	shalt  }
0x81: {  	_ =	shalt  }
0x82: {  	_ =	shalt  }
0x83: {  	_ =	shalt  }
0x84: {  	_ =	shalt  }
0x85: {  	_ =	shalt  }
0x86: {  	_ =	shalt  }
0x87: {  	_ =	shalt  }
.Lfunc_end0:
.L_simem_size_0:
called_computation_lowered:
.L_overlay_start_0:
0x88: {  	s2 =	sld [smem:$0x3FD9]  }
0x89: {  	s3 =	sld [smem:$0x3FFE];
	_ =	sdelay $0x1  }
0x8a: {  	s1 =	srdreg.scid  }
0x8b: {  	s0 =	sand.u32 $0x1, s1  }
0x8c: {  	s17 =	sshll.u32 s0, $0xA;
	s2 =	sadd.s32 s3, s2  }
0x8d: {  	s2 =	sadd.s32 s2, s17  }
0x8e: {  	[smem:$0x3FC5] =	sst s2  }
0x8f: {  	_ = 	snop  }
0x90: {  	s2 =	sld [smem:$0x3FC9]  }
0x91: {  	s18 =	sld [smem:$0x3FD0];
	(tm) =	ssettm $0x1  }
0x92: {  	s4 =	sld [smem:$0x3FFB];
	_ =	sdelay $0x3  }
0x93: {  	_ =	strace s4  }
0x94: {  	s4 =	sld [smem:$0x3FFC];
	_ =	sdelay $0x3  }
0x95: {  	_ =	strace s4  }
0x96: {  	s4 =	sld [smem:$0x3FFD];
	_ =	sdelay $0x3  }
0x97: {  	_ =	strace s4  }
0x98: {  	_ =	strace $0x8FFFFFFF  }
0x99: {  	s19 =	sld [smem:$0x3FDB];
	_ =	sdelay $0x1  }
0x9a: {  	s5 =	simm.s32 $_scs_section_size  }
0x9b: {  	s6 =	simm.s32 $_size__tile_overlayer_lowered;
	s7 =	simm.s32 $_tile_overlayer_lowered  }
0x9c: {  	s22 =	simm.s32 $0x1BFF;
	s21 =	sshll.u32 s7, $0x1;
	s4 =	sadd.s32 s5, s19  }
0x9d: {  	s8 =	simm.s32 $0x0;
	s20 =	sshll.u32 s6, $0x1;
	s6 =	sadd.s32 s21, s4  }
0x9e: {  	[timem:s8], [sflag:s22] =	dma.local [hbm:s6], s20  }
0x9f: {  	_ =	swait.ge [sflag:s22], s20  }
0xa0: {  	s5 =	ssub.s32 $0x0, s20;
	[sflag:s22] =	ssyncset.done $0x0  }
0xa1: {  	[sflag:s22] =	ssyncadd.s32 s5;
	_ =	sdelay $0x1  }
0xa2: {  	s23 =	simm.s32 $0x1B8B  }
0xa3: {  	_ =	swait.ge [sflag:s23], $0x1  }
0xa4: {  	[sflag:s23] =	ssyncset.done $0x0  }
0xa5: {  	s25 =	simm.s32 $0x1B8E;
	s24 =	sld [smem:$0x3FFE];
	[sflag:s23] =	ssyncadd.s32 $0xFFFFFFFF  }
0xa6: {  	s26 =	simm.s32 $execute0_lowered;
	[smem:$0x3FD2] =	sst s25  }
0xa7: {  	s6 =	sshll.u32 s26, $0x1;
	_ =	strace $0x80000046;
	[dreg:$0x1] =	wrdreg $0xFFFFFFFF  }
0xa8: {  	s28 =	simm.s32 $_size_execute0_lowered;
	s4 =	sadd.s32 s4, s6;
	[dreg:$0x0] =	wrdreg $0x0  }
0xa9: {  	s6 =	sshll.u32 s28, $0x1;
	[dreg:$0x2] =	wrdreg s4  }
0xaa: {  	[dreg:$0x3] =	wrdreg s6  }
0xab: {  	[dreg:$0x4] =	wrdreg $0xC0  }
0xac: {  	_ =	task [dreg:s8], $0x5FFFF  }
0xad: {  	[dreg:$0x1] =	wrdreg $0xFFFFFFFF  }
0xae: {  	[dreg:$0x0] =	wrdreg $0x60  }
0xaf: {  	[dreg:$0x2] =	wrdreg s18  }
0xb0: {  	[dreg:$0x3] =	wrdreg s2  }
0xb1: {  	[dreg:$0x4] =	wrdreg s24  }
0xb2: {  	[dreg:$0x5] =	wrdreg $0x9  }
0xb3: {  	_ =	task.clear_ibuf [dreg:s8], $0x6FFFF;
	_ =	strace $0x90000046  }
0xb4: {  	s29 =	simm.s32 $0x9;
	_ =	strace $0x80000048  }
0xb5: {  	_ =	swait.ge [sflag:s29], $0x1  }
0xb6: {  	[sflag:s29] =	ssyncadd.s32 $0xFFFFFFFF  }
0xb7: {  	_ =	strace $0x90000048  }
0xb8: {  	_ =	sfence  }
0xb9: {  	s30 =	sld [smem:$0x0];
	_ =	sdelay $0x2  }
0xba: {  	s31 =	sshll.u32 s1, $0xD;
	s1 =	sshrl.u32 s1, $0x2  }
0xbb: {  	s3 =	sand.u32 $0x4000, s31;
	s1 =	sadd.s32 s1, s30  }
0xbc: {  	s0 =	sor.u32 s3, s0;
	s1 =	sshll.u32 s1, $0x11  }
0xbd: {  	s0 =	sor.u32 s1, s0  }
0xbe: {  	s0 =	sadd.s32 $0x8F2B, s0  }
0xbf: {  	[sflag:s0] =	ssyncadd.remote.s32 $0x1  }
0xc0: {  	_ =	sfence.sel $0xFFFF  }
0xc1: {  	[dreg:$0x0] =	wrdreg $0xFFFFFFFF;
	(pc) =	sbr.abs _section_cstart, $3  }
0xc2: {  	[dreg:$0x1] =	wrdreg $0xFFFFFFFF  }
0xc3: {  	_ =	task.clear_ibuf [dreg:s8], $0x2FFFF;
	_ =	strace $0x9FFFFFFF  }
0xc4: {  	(tm) =	ssettm $0x7FFFFFFF  }
0xc5: {  	_ =	shalt  }
tec
execute0_lowered:
.L_overlay_start_1:
0x0: {  	(tag) =	ssettag $0x1  }
0x1: {  	s1 =	rddreg [dreg:$0x0]  }
0x2: {  	s4 =	rddreg [dreg:$0x1]  }
0x3: {  	s5 =	rddreg [dreg:$0x2]  }
0x4: {  	s0 =	rddreg [dreg:$0x3];
	s6 =	srdreg.scid  }
0x5: {  	s3 =	simm.s32 $0x0;
	s2 =	stileid.u32;
	s9 =	simm.s32 $0x1  }
0x6: {  	s10 =	simm.s32 $0x1000;
	s11 =	simm.s32 $0x2080;
	s12 =	simm.s32 $0x0  }
0x7: {  	s6 =	sand.u32 $0x1, s6;
	s7 =	sshll.u32 s2, $0x5;
	[smem:$0x7FF] =	sst s3  }
0x8: {  	s8 =	sshll.u32 s6, $0x4;
	s6 =	ssub.s32 $0x2, s6;
	_ =	strace $0x80000047  }
0x9: {  	s7 =	sor.u32 s8, s7;
	s31 =	sshrl.u32 s6, $0x1;
	s8 =	simm.s32 $0x80  }
0xa: {  	s5 =	sadd.s32 s7, s5;
	s6 =	ssub.s32 s6, s31;
	s4 =	sadd.s32 s4, s7  }
0xb: {  	s7 =	simm.s32 $0x2;
	s5 =	sadd.s32 $0x400, s5;
	s6 =	smax.u32 s6, $0x1  }
.LBB2_1:
0xc: {  	[tilespmem:s3], [sflag:$0x2] =	stream.linear.gather [hbm4b:s4+s3], $0x80, $0x38;
	[tilespmem:$0x4080] =	vst v63  }
0xd: {  	_ =	swait.ge [sflag:s7], $0x80  }
0xe: {  	[sflag:s7] =	ssyncset.done $0x0  }
0xf: {  	[sflag:s7] =	ssyncadd.s32 $0xFFFFFF80  }
0x10: {  	v0 =	vld [tilespmem:$0x0];
	_ =	sdelay $0x4  }
0x11: {  	s13 =	simm.s32 $0xC0;
	v0 =	vadd.s32 s3, v0  }
0x12: {  	[tilespmem:s13+$0xFFFFFFC0] =	vst v0  }
0x13: {  	v0 =	vld [tilespmem:$0x10];
	_ =	sdelay $0x4  }
0x14: {  	v0 =	vadd.s32 s3, v0  }
0x15: {  	[tilespmem:s13+$0xFFFFFFD0] =	vst v0  }
0x16: {  	v0 =	vld [tilespmem:$0x20];
	_ =	sdelay $0x4  }
0x17: {  	v0 =	vadd.s32 s3, v0  }
0x18: {  	[tilespmem:s13+$0xFFFFFFE0] =	vst v0  }
0x19: {  	v0 =	vld [tilespmem:$0x30];
	_ =	sdelay $0x4  }
0x1a: {  	v0 =	vadd.s32 s3, v0  }
0x1b: {  	[tilespmem:s13+$0xFFFFFFF0] =	vst v0  }
0x1c: {  	v0 =	vld [tilespmem:$0x40];
	_ =	sdelay $0x4  }
0x1d: {  	v0 =	vadd.s32 s3, v0  }
0x1e: {  	[tilespmem:s13+$0x0] =	vst v0  }
0x1f: {  	v0 =	vld [tilespmem:$0x50];
	_ =	sdelay $0x4  }
0x20: {  	v0 =	vadd.s32 s3, v0  }
0x21: {  	[tilespmem:s13+$0x10] =	vst v0  }
0x22: {  	v0 =	vld [tilespmem:$0x60];
	_ =	sdelay $0x4  }
0x23: {  	v0 =	vadd.s32 s3, v0  }
0x24: {  	[tilespmem:s13+$0x20] =	vst v0  }
0x25: {  	v0 =	vld [tilespmem:$0x70];
	_ =	sdelay $0x4  }
0x26: {  	v0 =	vadd.s32 s3, v0  }
0x27: {  	[tilespmem:s13+$0x30] =	vst v0  }
0x28: {  	s14 =	simm.s32 $0x186A0;
	s15 =	simm.s32 $0x30D40;
	v0 =	vld [tilespmem:$0x0]  }
.LBB2_2:
0x29: {  	p0 =	sne.s32 s15, $0x602160;
	_ =	sdelay $0x3  }
0x2a: {  	s13 =	sadd.s32 $0x80, s13;
	v0 =	vadd.s32 s14, v0  }
0x2b: {  	[tilespmem:s13+$0xFFFFFFC0] =	vst v0  }
0x2c: {  	v0 =	vld [tilespmem:$0x10];
	_ =	sdelay $0x4  }
0x2d: {  	v0 =	vadd.s32 s14, v0  }
0x2e: {  	[tilespmem:s13+$0xFFFFFFD0] =	vst v0  }
0x2f: {  	v0 =	vld [tilespmem:$0x20];
	_ =	sdelay $0x4  }
0x30: {  	v0 =	vadd.s32 s14, v0  }
0x31: {  	[tilespmem:s13+$0xFFFFFFE0] =	vst v0  }
0x32: {  	v0 =	vld [tilespmem:$0x30];
	_ =	sdelay $0x4  }
0x33: {  	v0 =	vadd.s32 s14, v0  }
0x34: {  	[tilespmem:s13+$0xFFFFFFF0] =	vst v0  }
0x35: {  	v0 =	vld [tilespmem:$0x40];
	_ =	sdelay $0x4  }
0x36: {  	v0 =	vadd.s32 s14, v0  }
0x37: {  	[tilespmem:s13+$0x0] =	vst v0  }
0x38: {  	v0 =	vld [tilespmem:$0x50];
	_ =	sdelay $0x4  }
0x39: {  	v0 =	vadd.s32 s14, v0  }
0x3a: {  	[tilespmem:s13+$0x10] =	vst v0  }
0x3b: {  	v0 =	vld [tilespmem:$0x60];
	_ =	sdelay $0x4  }
0x3c: {  	v0 =	vadd.s32 s14, v0  }
0x3d: {  	[tilespmem:s13+$0x20] =	vst v0  }
0x3e: {  	v0 =	vld [tilespmem:$0x70];
	_ =	sdelay $0x2  }
.Ltmp0:
0x3f: {  	(pc) =	sbr.rel @p0 .LBB2_2-.Ltmp0, $4  }
0x40: {  	_ = 	snop  }
0x41: {  	v0 =	vadd.s32 s14, v0;
	s14 =	smov.u32 s15  }
0x42: {  	[tilespmem:s13+$0x30] =	vst v0  }
0x43: {  	s15 =	sadd.s32 $0x186A0, s15;
	v0 =	vld [tilespmem:$0x0]  }
0x44: {  	_ =	sdelay $0x3  }
0x45: {  	s13 =	sadd.s32 $0x80, s13;
	v0 =	vadd.s32 s14, v0  }
0x46: {  	[tilespmem:s13+$0xFFFFFFC0] =	vst v0  }
0x47: {  	v0 =	vld [tilespmem:$0x10];
	_ =	sdelay $0x4  }
0x48: {  	v0 =	vadd.s32 s14, v0  }
0x49: {  	[tilespmem:s13+$0xFFFFFFD0] =	vst v0  }
0x4a: {  	v0 =	vld [tilespmem:$0x20];
	_ =	sdelay $0x4  }
0x4b: {  	v0 =	vadd.s32 s14, v0  }
0x4c: {  	[tilespmem:s13+$0xFFFFFFE0] =	vst v0  }
0x4d: {  	v0 =	vld [tilespmem:$0x30];
	_ =	sdelay $0x4  }
0x4e: {  	v0 =	vadd.s32 s14, v0  }
0x4f: {  	[tilespmem:s13+$0xFFFFFFF0] =	vst v0  }
0x50: {  	v0 =	vld [tilespmem:$0x40];
	_ =	sdelay $0x4  }
0x51: {  	v0 =	vadd.s32 s14, v0  }
0x52: {  	[tilespmem:s13+$0x0] =	vst v0  }
0x53: {  	v0 =	vld [tilespmem:$0x50];
	_ =	sdelay $0x4  }
0x54: {  	v0 =	vadd.s32 s14, v0  }
0x55: {  	[tilespmem:s13+$0x10] =	vst v0  }
0x56: {  	v0 =	vld [tilespmem:$0x60];
	_ =	sdelay $0x4  }
0x57: {  	v0 =	vadd.s32 s14, v0  }
0x58: {  	[tilespmem:s13+$0x20] =	vst v0  }
0x59: {  	v0 =	vld [tilespmem:$0x70];
	_ =	sdelay $0x4  }
0x5a: {  	v0 =	vadd.s32 s14, v0  }
0x5b: {  	[tilespmem:s13+$0x30] =	vst v0;
	s13 =	simm.s32 $0x0  }
.LBB2_4:
0x5c: {  	p0 =	sne.s32 s13, $0x7E00  }
.Ltmp1:
0x5d: {  	_ = 	snop;
	(pc) =	sbr.rel @p0 .LBB2_4-.Ltmp1, $4  }
0x5e: {  	_ = 	snop  }
0x5f: {  	s14 =	sshra.s32 s13, $0x2  }
0x60: {  	s13 =	sadd.s32 $0x200, s13;
	s15 =	sadd.s32 $0x2080, s14;
	s14 =	sadd.s32 $0x80, s14  }
0x61: {  	[tilespmem:s15], [sflag:$0x1] =	stream.indirect.gather [hbm4b:s1+s8], $0x1, s14, s8, $0xb8;
	[tilespmem:$0x4080] =	vst v63  }
0x62: {  	_ =	swait.ge [sflag:s9], $0x80  }
0x63: {  	s13 =	simm.s32 $0x3F;
	[sflag:s9] =	ssyncset.done $0x0  }
.LBB2_6:
0x64: {  	p0 =	sne.s32 s13, $0x1;
	s13 =	sadd.s32 $0xFFFFFFFF, s13;
	[sflag:s9] =	ssyncadd.s32 $0xFFFFFF80  }
.Ltmp2:
0x65: {  	(pc) =	sbr.rel @p0 .LBB2_6-.Ltmp2, $3  }
0x66: {  	_ =	sdelay $0x1  }
0x67: {  	_ =	swait.ge [sflag:s9], $0x80  }
0x68: {  	[sflag:s9] =	ssyncset.done $0x0  }
0x69: {  	s12 =	sadd.s32 $0x1, s12  }
0x6a: {  	p0 =	sne.s32 s12, s6  }
.Ltmp3:
0x6b: {  	[sflag:s9] =	ssyncadd.s32 $0xFFFFFF80;
	(pc) =	sbr.rel @p0 .LBB2_1-.Ltmp3, $4  }
0x6c: {  	[hbm4b:s5+s8] =	stream.strided.scatter [tilespmem:s11], [sflag:$0x2], $0x2000, s10, s8, $0x38;
	[tilespmem:$0x4080] =	vst v63  }
0x6d: {  	_ =	swait.ge [sflag:s7], $0x2000  }
0x6e: {  	[sflag:s7] =	ssyncset.done $0x0  }
0x6f: {  	[sflag:s7] =	ssyncadd.s32 $0xFFFFE000  }
0x70: {  	_ =	sfence.sel $0x180000  }
0x71: {  	[bflag:$0x0] =	sbarrier.arrive $0xFFFF  }
0x72: {  	p0 =	sne.s32 s2, $0x0;
	_ =	strace $0x90000047  }
0x73: {  	s0 =	sadd.s32 @!p0 $0x100000, s0;
	[bflag:$0x2] =	sbarrier.arrive $0xFFFF  }
0x74: {  	[sflag:s0] =	ssyncadd.tile.s32 @!p0 $0x1;
	_ =	shalt  }
.Lfunc_end2:
_tile_overlayer_lowered:
.L_overlay_start_2:
0x75: {  	(tag) =	ssettag $0x2  }
0x76: {  	s0 =	rddreg [dreg:$0x0];
	s2 =	stileid.u32  }
0x77: {  	s1 =	rddreg [dreg:$0x1];
	p0 =	sne.s32 s2, $0x0  }
0x78: {  	s3 =	rddreg [dreg:$0x2];
	[bflag:$0x3] =	sbarrier.arrive $0xFFFF;
	s2 =	simm.s32 @!p0 $0x1C02  }
0x79: {  	[timem:s3], [sflag:s2] =	dma.local @!p0 [hbm:s0], s1  }
0x7a: {  	s0 =	simm.s32 @!p0 $0x2  }
0x7b: {  	_ =	swait.ge @!p0 [sflag:s0], s1  }
0x7c: {  	s1 =	ssub.s32 @!p0 $0x0, s1;
	[sflag:s0] =	ssyncset.done @!p0 $0x0  }
0x7d: {  	[sflag:s0] =	ssyncadd.s32 @!p0 s1  }
0x7e: {  	[bflag:$0x3] =	sbarrier.arrive $0xFFFF  }
0x7f: {  	_ =	shalt  }

</sc_bundles>
